<compile_context>
chip_gen: v7x
topology: tpu7x:2x2x1
jax: 0.10.2.dev20260603
libtpu: 0.0.44.dev20260713+nightly
codegen_flags: <defaults>
</compile_context>

<pallas_src>
import jax
import jax.numpy as jnp
from jax import lax
from jax.experimental import pallas as pl
from jax.experimental.pallas import tpu as pltpu
from jax.experimental.pallas import tpu_sc as plsc

N = 100000
DV = 16
CN = 50000
DC = 32
NT = 16

VPT = 6256
NP = NT * VPT
EPT = VPT * DV
EP = NP * DV
GPT = 196
G = NT * GPT
CNP = G * 16
IW = 512
ROWS_PT = GPT
N_ROUNDS = 4
RPC = 2
NCH_A = GPT // RPC
EBW = 17 * 256
NCH_B = VPT // 16 // 17
SBIT = -2147483648
EPS = 1e-12


def _body(cnp_h, llr16_h, llr0p_h, gam_h, fidx_h, out_h,
          idxba, msg2a, vals2a,
          ebuf, lbuf, obuf, c2v_v, gam_v, V_s, sem):
    cid = lax.axis_index("c")
    sid = lax.axis_index("s")

    @pl.when(cid == 0)
    def _work():
        t = sid
        eoff = t * EPT

        pltpu.sync_copy(gam_h, gam_v)
        pltpu.sync_copy(llr16_h.at[pl.ds(eoff, EPT)], V_s.at[pl.ds(eoff, EPT)])
        plsc.subcore_barrier()

        iota16 = lax.iota(jnp.int32, 16)
        gamv = gam_v[...]
        sbit = jnp.full((16,), SBIT, jnp.int32)

        def idx_load(h, c, dst):
            pltpu.sync_copy(
                h.at[pl.ds((t * ROWS_PT + c * RPC) * IW, RPC * IW)], dst)

        def fire_gather(ib, mb, s):
            return [pltpu.async_copy(V_s.at[ib.at[pl.ds(r * IW, IW)]],
                                     mb.at[pl.ds(r * IW, IW)], s)
                    for r in range(RPC)]

        def fire_scatter(ib, vb, s):
            return [pltpu.async_copy(vb.at[pl.ds(r * IW, IW)],
                                     V_s.at[ib.at[pl.ds(r * IW, IW)]],
                                     s, add=True)
                    for r in range(RPC)]

        def drain(cps):
            for cp in cps:
                cp.wait()

        def reduce_chunk(c, mb):
            for g in range(RPC):
                sacc = None
                mag = None
                for k in range(DC):
                    m = mb[pl.ds(g * IW + k * 16, 16)]
                    sb = lax.bitcast_convert_type(m + EPS, jnp.int32)
                    am = jnp.abs(m)
                    if sacc is None:
                        sacc, mag = sb, am
                    else:
                        sacc = lax.bitwise_xor(sacc, sb)
                        mag = jnp.minimum(mag, am)
                sgn = lax.bitwise_and(sacc, sbit)
                c2v = lax.bitcast_convert_type(
                    lax.bitwise_xor(
                        lax.bitcast_convert_type(gamv * mag, jnp.int32), sgn),
                    jnp.float32)
                cids = t * (GPT * 16) + (c * RPC + g) * 16 + iota16
                c2v = jnp.where(cids < CN, c2v, 0.0)
                c2v_v[pl.ds((c * RPC + g) * 16, 16)] = c2v

        def build_chunk(c, vb):
            for g in range(RPC):
                cv = c2v_v[pl.ds((c * RPC + g) * 16, 16)]
                for k in range(DC):
                    vb[pl.ds(g * IW + k * 16, 16)] = cv

        def _round(r_, rc):
            def _ga(c, cc):
                idx_load(cnp_h, c, idxba)
                drain(fire_gather(idxba, msg2a, sem))
                reduce_chunk(c, msg2a)
                return cc
            lax.fori_loop(0, NCH_A, _ga, 0)
            plsc.subcore_barrier()

            def _pb(i, cc):
                off = eoff + i * EBW
                pltpu.sync_copy(V_s.at[pl.ds(off, EBW)], ebuf)
                pltpu.sync_copy(llr16_h.at[pl.ds(off, EBW)], lbuf)

                def _sub(j, c2):
                    sl = pl.ds(j * 16, 16)
                    ebuf[sl] = lbuf[sl] - ebuf[sl]
                    return c2
                lax.fori_loop(0, EBW // 16, _sub, 0)
                pltpu.sync_copy(ebuf, V_s.at[pl.ds(off, EBW)])
                return cc
            lax.fori_loop(0, NCH_B, _pb, 0)
            plsc.subcore_barrier()

            def _gc(c, cc):
                idx_load(cnp_h, c, idxba)
                build_chunk(c, vals2a)
                drain(fire_scatter(idxba, vals2a, sem))
                return cc
            lax.fori_loop(0, NCH_A, _gc, 0)
            plsc.subcore_barrier()
            return rc
        lax.fori_loop(0, N_ROUNDS, _round, 0)

        def sum_chunk(c, mb):
            for r in range(RPC):
                for h in range(2):
                    acc = mb[pl.ds(r * IW + h * 256, 16)]
                    for j in range(1, DV):
                        acc = acc + mb[pl.ds(r * IW + h * 256 + j * 16, 16)]
                    w = (c * RPC + r) * 2 + h
                    sl = pl.ds(w * 16, 16)
                    obuf[sl] = obuf[sl] + acc

        pltpu.sync_copy(llr0p_h.at[pl.ds(t * VPT, VPT)], obuf.at[pl.ds(0, VPT)])

        def _fin(c, cc):
            idx_load(fidx_h, c, idxba)
            drain(fire_gather(idxba, msg2a, sem))
            sum_chunk(c, msg2a)
            return cc
        lax.fori_loop(0, NCH_A, _fin, 0)
        pltpu.sync_copy(obuf.at[pl.ds(0, VPT)], out_h.at[pl.ds(t * VPT, VPT)])


_bp_call = pl.kernel(
    _body,
    out_type=jax.ShapeDtypeStruct((NP,), jnp.float32),
    mesh=plsc.VectorSubcoreMesh(core_axis_name="c", subcore_axis_name="s"),
    scratch_types=[
        pltpu.VMEM((RPC * IW,), jnp.int32),
        pltpu.VMEM((RPC * IW,), jnp.float32),
        pltpu.VMEM((RPC * IW,), jnp.float32),
        pltpu.VMEM((EBW,), jnp.float32),
        pltpu.VMEM((EBW,), jnp.float32),
        pltpu.VMEM((VPT + 16,), jnp.float32),
        pltpu.VMEM((GPT * 16,), jnp.float32),
        pltpu.VMEM((16,), jnp.float32),
        pltpu.VMEM_SHARED((EP,), jnp.float32),
        pltpu.SemaphoreType.DMA,
    ],
)


def kernel(llr0, vn_adj, cn_adj, gamma):
    del vn_adj
    llr0p = jnp.concatenate([llr0, jnp.zeros((NP - N,), llr0.dtype)])
    llr16 = jnp.broadcast_to(llr0p[:, None], (NP, DV)).reshape(-1)
    cn_pad = jnp.concatenate(
        [cn_adj, jnp.zeros((CNP - CN, DC), cn_adj.dtype)])
    cnp = cn_pad.reshape(G, 16, DC).transpose(0, 2, 1).reshape(-1)
    gamma16 = jnp.full((16,), gamma, jnp.float32)
    fidx = (jnp.arange(NT, dtype=jnp.int32)[:, None, None, None] * EPT
            + jnp.arange(VPT // 16, dtype=jnp.int32)[None, :, None, None] * 256
            + jnp.arange(DV, dtype=jnp.int32)[None, None, :, None]
            + jnp.arange(16, dtype=jnp.int32)[None, None, None, :] * 16)
    fidx = fidx.reshape(NT, -1)
    fidx = jnp.concatenate(
        [fidx, jnp.zeros((NT, ROWS_PT * IW - fidx.shape[1]), jnp.int32)],
        axis=1).reshape(-1)
    out = _bp_call(cnp, llr16, llr0p, gamma16, fidx)
    return out[:N]

# --- scband reference (transcript-rebuilt; emitter-appended) ---
"""Pipeline reference for scband-neural-bp-85882166050949 (READ-ONLY COPY).

The authoritative reference and input builder live on the scoring server;
editing this copy changes nothing except your own understanding.
"""

import jax, jax.numpy as jnp
import numpy as np

N = 100000   # variable nodes
DV = 16      # max variable-node degree
CN = 50000   # check nodes
DC = 32      # max check-node degree
N_ITER = 5


def setup_inputs(seed: int = 0) -> dict:
    key = jax.random.key(seed)
    k1, k2, k3 = jax.random.split(key, 3)
    llr0 = jax.random.normal(k1, (N,), dtype=jnp.float32)
    # vn_adj[v, j]: check index attached to variable v at slot j (-1 pad unused here)
    vn_adj = jax.random.randint(k2, (N, DV), 0, CN, dtype=jnp.int32)
    # cn_adj[c, i]: flat edge index (into the N*DV edge-message array) for check c slot i
    cn_adj = jax.random.randint(k3, (CN, DC), 0, N * DV, dtype=jnp.int32)
    gamma = jnp.ones((), dtype=jnp.float32)  # learned damping scalar (learn_gamma=True)
    return {"llr0": llr0, "vn_adj": vn_adj, "cn_adj": cn_adj, "gamma": gamma}


def reference(llr0, vn_adj, cn_adj, gamma):
    # Neural min-sum belief propagation. v2c holds per-(variable, slot) edge messages,
    # shape [N, DV]; cn_adj indexes the flattened edge array (shape [N*DV]).
    v2c0 = jnp.zeros(vn_adj.shape, dtype=llr0.dtype)
    mask = cn_adj < 0

    def step(v2c, _):
        v2c_flat = v2c.reshape(-1)
        msg = v2c_flat[cn_adj]                  # gather edge messages per check [CN, DC]
        msg = jnp.where(mask, 0.0, msg)
        sgn = jnp.prod(jnp.sign(msg + 1e-12), axis=1, keepdims=True)
        mag = jnp.min(jnp.abs(jnp.where(mask, 1000000000.0, msg)), axis=1, keepdims=True)
        c2v = gamma * sgn * mag
        c2v = jnp.broadcast_to(c2v, cn_adj.shape)
        c2v = jnp.where(mask, 0.0, c2v)
        v_acc_flat = jnp.zeros_like(v2c_flat).at[cn_adj].add(c2v)  # scatter-add back to edges
        v_acc = v_acc_flat.reshape(v2c.shape)
        v2c_new = llr0[:, None] + v_acc - v2c
        v2c_new = jnp.where(vn_adj < 0, 0.0, v2c_new)
        return v2c_new, None

    v2c, _ = jax.lax.scan(step, v2c0, None, length=N_ITER)
    return llr0 + jnp.sum(v2c, axis=1)

if __name__ == "__main__":
    import jax
    _d = setup_inputs()
    print(jax.jit(kernel)(*tuple(_d.values())))

</pallas_src>

<mosaic_0001>
#map = affine_map<(d0, d1) -> (0)>
module attributes {stable_mosaic.version = 14 : i64} {
  func.func @_body(%arg0: i32, %arg1: i32, %arg2: memref<1605632xi32, #tpu.memory_space<hbm>>, %arg3: memref<1601536xf32, #tpu.memory_space<hbm>>, %arg4: memref<100096xf32, #tpu.memory_space<hbm>>, %arg5: memref<16xf32, #tpu.memory_space<hbm>>, %arg6: memref<1605632xi32, #tpu.memory_space<hbm>>, %arg7: memref<100096xf32, #tpu.memory_space<hbm>>, %arg8: memref<1024xi32, #tpu.memory_space<vmem>>, %arg9: memref<1024xf32, #tpu.memory_space<vmem>>, %arg10: memref<1024xf32, #tpu.memory_space<vmem>>, %arg11: memref<4352xf32, #tpu.memory_space<vmem>>, %arg12: memref<4352xf32, #tpu.memory_space<vmem>>, %arg13: memref<6272xf32, #tpu.memory_space<vmem>>, %arg14: memref<3136xf32, #tpu.memory_space<vmem>>, %arg15: memref<16xf32, #tpu.memory_space<vmem>>, %arg16: memref<1601536xf32, #tpu.memory_space<vmem_shared>>, %arg17: memref<!tpu.dma_semaphore, #tpu.memory_space<semaphore_mem>>) attributes {dimension_semantics = [#tpu.dimension_semantics<core_parallel>, #tpu.dimension_semantics<subcore_parallel>], iteration_bounds = array<i64: 2, 16>, scalar_prefetch = 0 : i64, scratch_operands = 10 : i64, tpu.core_type = #tpu.core_type<sc_vector_subcore>, window_params = [{transform_indices = #map}, {transform_indices = #map}, {transform_indices = #map}, {transform_indices = #map}, {transform_indices = #map}, {transform_indices = #map}]} {
    %eq3A = arith.constant 0 : i32
    %eq3A_0 = arith.cmpi eq, %arg0, %eq3A : i32
    %convert_element_type3A = arith.extui %eq3A_0 : i1 to i32
    %cond3A = arith.constant 0 : i32
    %cond3A_1 = arith.cmpi ne, %convert_element_type3A, %cond3A : i32
    scf.if %cond3A_1 {
      %mul3A = arith.constant 100096 : i32
      %mul3A_2 = arith.muli %arg1, %mul3A : i32
      "tpu.region"() ({
        %run_scoped3A = tpu.sem_alloc : memref<!tpu.dma_semaphore, #tpu.memory_space<semaphore_mem>>
        tpu.enqueue_dma source(%arg5 : memref<16xf32, #tpu.memory_space<hbm>>) target(%arg15 : memref<16xf32, #tpu.memory_space<vmem>>) target_semaphore(%run_scoped3A : memref<!tpu.dma_semaphore, #tpu.memory_space<semaphore_mem>>)
        tpu.wait_dma2 semaphore(%run_scoped3A : memref<!tpu.dma_semaphore, #tpu.memory_space<semaphore_mem>>) src(%arg5 : memref<16xf32, #tpu.memory_space<hbm>>) dst(%arg15 : memref<16xf32, #tpu.memory_space<vmem>>)
        tpu.yield
      }) : () -> ()
      "tpu.region"() ({
        %run_scoped3A = tpu.sem_alloc : memref<!tpu.dma_semaphore, #tpu.memory_space<semaphore_mem>>
        %dma_start3A = tpu.memref_slice %arg16[%mul3A_2] : memref<1601536xf32, #tpu.memory_space<vmem_shared>> -> memref<100096xf32, #tpu.memory_space<vmem_shared>>
        %dma_start3A_21 = tpu.memref_slice %arg3[%mul3A_2] : memref<1601536xf32, #tpu.memory_space<hbm>> -> memref<100096xf32, #tpu.memory_space<hbm>>
        tpu.enqueue_dma source(%dma_start3A_21 : memref<100096xf32, #tpu.memory_space<hbm>>) target(%dma_start3A : memref<100096xf32, #tpu.memory_space<vmem_shared>>) target_semaphore(%run_scoped3A : memref<!tpu.dma_semaphore, #tpu.memory_space<semaphore_mem>>)
        %dma_wait3A = tpu.memref_slice %arg16[%mul3A_2] : memref<1601536xf32, #tpu.memory_space<vmem_shared>> -> memref<100096xf32, #tpu.memory_space<vmem_shared>>
        %dma_wait3A_22 = tpu.memref_slice %arg3[%mul3A_2] : memref<1601536xf32, #tpu.memory_space<hbm>> -> memref<100096xf32, #tpu.memory_space<hbm>>
        tpu.wait_dma2 semaphore(%run_scoped3A : memref<!tpu.dma_semaphore, #tpu.memory_space<semaphore_mem>>) src(%dma_wait3A_22 : memref<100096xf32, #tpu.memory_space<hbm>>) dst(%dma_wait3A : memref<100096xf32, #tpu.memory_space<vmem_shared>>)
        tpu.yield
      }) : () -> ()
      %barrier3A = arith.constant 0 : index
      tpu.barrier barrier_id(%barrier3A)
      %iota3A = tpu.iota {dimensions = array<i32: 0>} : vector<16xi32>
      %get3A = arith.constant 0 : index
      %get3A_3 = tpu.vector_load %arg15[%get3A] {strides = array<i32>} : memref<16xf32, #tpu.memory_space<vmem>>, vector<16xf32>,
      %get3A_4 = vector.shape_cast %get3A_3 : vector<16xf32> to vector<16xf32>
      %broadcast_in_dim3A = arith.constant -2147483648 : i32
      %broadcast_in_dim3A_5 = vector.broadcast %broadcast_in_dim3A : i32 to vector<16xi32>
      %scan3A = arith.constant 0 : i32
      %scan3A_6 = arith.constant 0 : i32
      %scan3A_7 = arith.constant 4 : i32
      %scan3A_8 = arith.addi %scan3A_6, %scan3A_7 : i32
      %scan3A_9 = arith.constant 1 : i32
      scf.for %scan3A_21 = %scan3A_6 to %scan3A_8 step %scan3A_9  : i32 {
        %scan3A_22 = arith.constant 0 : i32
        %scan3A_23 = arith.constant 0 : i32
        %scan3A_24 = arith.constant 98 : i32
        %scan3A_25 = arith.addi %scan3A_23, %scan3A_24 : i32
        %scan3A_26 = arith.constant 1 : i32
        scf.for %scan3A_43 = %scan3A_23 to %scan3A_25 step %scan3A_26  : i32 {
          %mul3A_44 = arith.constant 196 : i32
          %mul3A_45 = arith.muli %arg1, %mul3A_44 : i32
          %mul3A_46 = arith.constant 2 : i32
          %mul3A_47 = arith.muli %scan3A_43, %mul3A_46 : i32
          %add3A = arith.addi %mul3A_45, %mul3A_47 : i32
          %mul3A_48 = arith.constant 512 : i32
          %mul3A_49 = arith.muli %add3A, %mul3A_48 : i32
          "tpu.region"() ({
            %run_scoped3A = tpu.sem_alloc : memref<!tpu.dma_semaphore, #tpu.memory_space<semaphore_mem>>
            %dma_start3A_763 = tpu.memref_slice %arg2[%mul3A_49] : memref<1605632xi32, #tpu.memory_space<hbm>> -> memref<1024xi32, #tpu.memory_space<hbm>>
            %dma_start3A_764 = tpu.memref_slice %arg2[%mul3A_49] : memref<1605632xi32, #tpu.memory_space<hbm>> -> memref<1024xi32, #tpu.memory_space<hbm>>
            tpu.enqueue_dma source(%dma_start3A_764 : memref<1024xi32, #tpu.memory_space<hbm>>) target(%arg8 : memref<1024xi32, #tpu.memory_space<vmem>>) target_semaphore(%run_scoped3A : memref<!tpu.dma_semaphore, #tpu.memory_space<semaphore_mem>>)
            %dma_wait3A_765 = tpu.memref_slice %arg2[%mul3A_49] : memref<1605632xi32, #tpu.memory_space<hbm>> -> memref<1024xi32, #tpu.memory_space<hbm>>
            %dma_wait3A_766 = tpu.memref_slice %arg2[%mul3A_49] : memref<1605632xi32, #tpu.memory_space<hbm>> -> memref<1024xi32, #tpu.memory_space<hbm>>
            tpu.wait_dma2 semaphore(%run_scoped3A : memref<!tpu.dma_semaphore, #tpu.memory_space<semaphore_mem>>) src(%dma_wait3A_766 : memref<1024xi32, #tpu.memory_space<hbm>>) dst(%arg8 : memref<1024xi32, #tpu.memory_space<vmem>>)
            tpu.yield
          }) : () -> ()
          %dma_start3A = arith.constant 0 : i32
          %dma_start3A_50 = tpu.memref_slice %arg9[%dma_start3A] : memref<1024xf32, #tpu.memory_space<vmem>> -> memref<512xf32, #tpu.memory_space<vmem>>
          %dma_start3A_51 = arith.constant 0 : i32
          %dma_start3A_52 = tpu.memref_slice %arg8[%dma_start3A_51] : memref<1024xi32, #tpu.memory_space<vmem>> -> memref<512xi32, #tpu.memory_space<vmem>>
          %dma_start3A_53 = arith.constant 0 : i32
          %dma_start3A_54 = tpu.memref_slice %arg16[%dma_start3A_53] : memref<1601536xf32, #tpu.memory_space<vmem_shared>> -> memref<1601536xf32, #tpu.memory_space<vmem_shared>>
          tpu.enqueue_indirect_dma source(%dma_start3A_54 : memref<1601536xf32, #tpu.memory_space<vmem_shared>>) target(%dma_start3A_50 : memref<512xf32, #tpu.memory_space<vmem>>) offsets(%dma_start3A_52 : memref<512xi32, #tpu.memory_space<vmem>>) semaphore(%arg17 : memref<!tpu.dma_semaphore, #tpu.memory_space<semaphore_mem>>)
          %dma_start3A_55 = arith.constant 512 : i32
          %dma_start3A_56 = tpu.memref_slice %arg9[%dma_start3A_55] : memref<1024xf32, #tpu.memory_space<vmem>> -> memref<512xf32, #tpu.memory_space<vmem>>
          %dma_start3A_57 = arith.constant 512 : i32
          %dma_start3A_58 = tpu.memref_slice %arg8[%dma_start3A_57] : memref<1024xi32, #tpu.memory_space<vmem>> -> memref<512xi32, #tpu.memory_space<vmem>>
          %dma_start3A_59 = arith.constant 0 : i32
          %dma_start3A_60 = tpu.memref_slice %arg16[%dma_start3A_59] : memref<1601536xf32, #tpu.memory_space<vmem_shared>> -> memref<1601536xf32, #tpu.memory_space<vmem_shared>>
          tpu.enqueue_indirect_dma source(%dma_start3A_60 : memref<1601536xf32, #tpu.memory_space<vmem_shared>>) target(%dma_start3A_56 : memref<512xf32, #tpu.memory_space<vmem>>) offsets(%dma_start3A_58 : memref<512xi32, #tpu.memory_space<vmem>>) semaphore(%arg17 : memref<!tpu.dma_semaphore, #tpu.memory_space<semaphore_mem>>)
          %dma_wait3A = arith.constant 0 : i32
          %dma_wait3A_61 = tpu.memref_slice %arg9[%dma_wait3A] : memref<1024xf32, #tpu.memory_space<vmem>> -> memref<512xf32, #tpu.memory_space<vmem>>
          %dma_wait3A_62 = arith.constant 0 : i32
          %dma_wait3A_63 = tpu.memref_slice %arg8[%dma_wait3A_62] : memref<1024xi32, #tpu.memory_space<vmem>> -> memref<512xi32, #tpu.memory_space<vmem>>
          %dma_wait3A_64 = arith.constant 0 : i32
          %dma_wait3A_65 = tpu.memref_slice %arg16[%dma_wait3A_64] : memref<1601536xf32, #tpu.memory_space<vmem_shared>> -> memref<1601536xf32, #tpu.memory_space<vmem_shared>>
          tpu.wait_indirect_dma semaphore(%arg17 : memref<!tpu.dma_semaphore, #tpu.memory_space<semaphore_mem>>) src(%dma_wait3A_65 : memref<1601536xf32, #tpu.memory_space<vmem_shared>>) dst(%dma_wait3A_61 : memref<512xf32, #tpu.memory_space<vmem>>)
          %dma_wait3A_66 = arith.constant 512 : i32
          %dma_wait3A_67 = tpu.memref_slice %arg9[%dma_wait3A_66] : memref<1024xf32, #tpu.memory_space<vmem>> -> memref<512xf32, #tpu.memory_space<vmem>>
          %dma_wait3A_68 = arith.constant 512 : i32
          %dma_wait3A_69 = tpu.memref_slice %arg8[%dma_wait3A_68] : memref<1024xi32, #tpu.memory_space<vmem>> -> memref<512xi32, #tpu.memory_space<vmem>>
          %dma_wait3A_70 = arith.constant 0 : i32
          %dma_wait3A_71 = tpu.memref_slice %arg16[%dma_wait3A_70] : memref<1601536xf32, #tpu.memory_space<vmem_shared>> -> memref<1601536xf32, #tpu.memory_space<vmem_shared>>
          tpu.wait_indirect_dma semaphore(%arg17 : memref<!tpu.dma_semaphore, #tpu.memory_space<semaphore_mem>>) src(%dma_wait3A_71 : memref<1601536xf32, #tpu.memory_space<vmem_shared>>) dst(%dma_wait3A_67 : memref<512xf32, #tpu.memory_space<vmem>>)
          %get3A_72 = arith.constant 0 : index
          %get3A_73 = tpu.vector_load %arg9[%get3A_72] {strides = array<i32>} : memref<1024xf32, #tpu.memory_space<vmem>>, vector<16xf32>,
          %get3A_74 = vector.shape_cast %get3A_73 : vector<16xf32> to vector<16xf32>
          %add3A_75 = arith.constant 9.99999996E-13 : f32
          %add3A_76 = vector.broadcast %add3A_75 : f32 to vector<16xf32>
          %add3A_77 = arith.addf %get3A_74, %add3A_76 : vector<16xf32>
          %bitcast_convert_type3A = tpu.bitcast %add3A_77 : vector<16xf32> -> vector<16xi32>
          %abs3A = math.absf %get3A_74 : vector<16xf32>
          %get3A_78 = arith.constant 16 : index
          %get3A_79 = tpu.vector_load %arg9[%get3A_78] {strides = array<i32>} : memref<1024xf32, #tpu.memory_space<vmem>>, vector<16xf32>,
          %get3A_80 = vector.shape_cast %get3A_79 : vector<16xf32> to vector<16xf32>
          %add3A_81 = arith.constant 9.99999996E-13 : f32
          %add3A_82 = vector.broadcast %add3A_81 : f32 to vector<16xf32>
          %add3A_83 = arith.addf %get3A_80, %add3A_82 : vector<16xf32>
          %bitcast_convert_type3A_84 = tpu.bitcast %add3A_83 : vector<16xf32> -> vector<16xi32>
          %abs3A_85 = math.absf %get3A_80 : vector<16xf32>
          %xor3A = arith.xori %bitcast_convert_type3A, %bitcast_convert_type3A_84 : vector<16xi32>
          %min3A = arith.minimumf %abs3A, %abs3A_85 : vector<16xf32>
          %get3A_86 = arith.constant 32 : index
          %get3A_87 = tpu.vector_load %arg9[%get3A_86] {strides = array<i32>} : memref<1024xf32, #tpu.memory_space<vmem>>, vector<16xf32>,
          %get3A_88 = vector.shape_cast %get3A_87 : vector<16xf32> to vector<16xf32>
          %add3A_89 = arith.constant 9.99999996E-13 : f32
          %add3A_90 = vector.broadcast %add3A_89 : f32 to vector<16xf32>
          %add3A_91 = arith.addf %get3A_88, %add3A_90 : vector<16xf32>
          %bitcast_convert_type3A_92 = tpu.bitcast %add3A_91 : vector<16xf32> -> vector<16xi32>
          %abs3A_93 = math.absf %get3A_88 : vector<16xf32>
          %xor3A_94 = arith.xori %xor3A, %bitcast_convert_type3A_92 : vector<16xi32>
          %min3A_95 = arith.minimumf %min3A, %abs3A_93 : vector<16xf32>
          %get3A_96 = arith.constant 48 : index
          %get3A_97 = tpu.vector_load %arg9[%get3A_96] {strides = array<i32>} : memref<1024xf32, #tpu.memory_space<vmem>>, vector<16xf32>,
          %get3A_98 = vector.shape_cast %get3A_97 : vector<16xf32> to vector<16xf32>
          %add3A_99 = arith.constant 9.99999996E-13 : f32
          %add3A_100 = vector.broadcast %add3A_99 : f32 to vector<16xf32>
          %add3A_101 = arith.addf %get3A_98, %add3A_100 : vector<16xf32>
          %bitcast_convert_type3A_102 = tpu.bitcast %add3A_101 : vector<16xf32> -> vector<16xi32>
          %abs3A_103 = math.absf %get3A_98 : vector<16xf32>
          %xor3A_104 = arith.xori %xor3A_94, %bitcast_convert_type3A_102 : vector<16xi32>
          %min3A_105 = arith.minimumf %min3A_95, %abs3A_103 : vector<16xf32>
          %get3A_106 = arith.constant 64 : index
          %get3A_107 = tpu.vector_load %arg9[%get3A_106] {strides = array<i32>} : memref<1024xf32, #tpu.memory_space<vmem>>, vector<16xf32>,
          %get3A_108 = vector.shape_cast %get3A_107 : vector<16xf32> to vector<16xf32>
          %add3A_109 = arith.constant 9.99999996E-13 : f32
          %add3A_110 = vector.broadcast %add3A_109 : f32 to vector<16xf32>
          %add3A_111 = arith.addf %get3A_108, %add3A_110 : vector<16xf32>
          %bitcast_convert_type3A_112 = tpu.bitcast %add3A_111 : vector<16xf32> -> vector<16xi32>
          %abs3A_113 = math.absf %get3A_108 : vector<16xf32>
          %xor3A_114 = arith.xori %xor3A_104, %bitcast_convert_type3A_112 : vector<16xi32>
          %min3A_115 = arith.minimumf %min3A_105, %abs3A_113 : vector<16xf32>
          %get3A_116 = arith.constant 80 : index
          %get3A_117 = tpu.vector_load %arg9[%get3A_116] {strides = array<i32>} : memref<1024xf32, #tpu.memory_space<vmem>>, vector<16xf32>,
          %get3A_118 = vector.shape_cast %get3A_117 : vector<16xf32> to vector<16xf32>
          %add3A_119 = arith.constant 9.99999996E-13 : f32
          %add3A_120 = vector.broadcast %add3A_119 : f32 to vector<16xf32>
          %add3A_121 = arith.addf %get3A_118, %add3A_120 : vector<16xf32>
          %bitcast_convert_type3A_122 = tpu.bitcast %add3A_121 : vector<16xf32> -> vector<16xi32>
          %abs3A_123 = math.absf %get3A_118 : vector<16xf32>
          %xor3A_124 = arith.xori %xor3A_114, %bitcast_convert_type3A_122 : vector<16xi32>
          %min3A_125 = arith.minimumf %min3A_115, %abs3A_123 : vector<16xf32>
          %get3A_126 = arith.constant 96 : index
          %get3A_127 = tpu.vector_load %arg9[%get3A_126] {strides = array<i32>} : memref<1024xf32, #tpu.memory_space<vmem>>, vector<16xf32>,
          %get3A_128 = vector.shape_cast %get3A_127 : vector<16xf32> to vector<16xf32>
          %add3A_129 = arith.constant 9.99999996E-13 : f32
          %add3A_130 = vector.broadcast %add3A_129 : f32 to vector<16xf32>
          %add3A_131 = arith.addf %get3A_128, %add3A_130 : vector<16xf32>
          %bitcast_convert_type3A_132 = tpu.bitcast %add3A_131 : vector<16xf32> -> vector<16xi32>
          %abs3A_133 = math.absf %get3A_128 : vector<16xf32>
          %xor3A_134 = arith.xori %xor3A_124, %bitcast_convert_type3A_132 : vector<16xi32>
          %min3A_135 = arith.minimumf %min3A_125, %abs3A_133 : vector<16xf32>
          %get3A_136 = arith.constant 112 : index
          %get3A_137 = tpu.vector_load %arg9[%get3A_136] {strides = array<i32>} : memref<1024xf32, #tpu.memory_space<vmem>>, vector<16xf32>,
          %get3A_138 = vector.shape_cast %get3A_137 : vector<16xf32> to vector<16xf32>
          %add3A_139 = arith.constant 9.99999996E-13 : f32
          %add3A_140 = vector.broadcast %add3A_139 : f32 to vector<16xf32>
          %add3A_141 = arith.addf %get3A_138, %add3A_140 : vector<16xf32>
          %bitcast_convert_type3A_142 = tpu.bitcast %add3A_141 : vector<16xf32> -> vector<16xi32>
          %abs3A_143 = math.absf %get3A_138 : vector<16xf32>
          %xor3A_144 = arith.xori %xor3A_134, %bitcast_convert_type3A_142 : vector<16xi32>
          %min3A_145 = arith.minimumf %min3A_135, %abs3A_143 : vector<16xf32>
          %get3A_146 = arith.constant 128 : index
          %get3A_147 = tpu.vector_load %arg9[%get3A_146] {strides = array<i32>} : memref<1024xf32, #tpu.memory_space<vmem>>, vector<16xf32>,
          %get3A_148 = vector.shape_cast %get3A_147 : vector<16xf32> to vector<16xf32>
          %add3A_149 = arith.constant 9.99999996E-13 : f32
          %add3A_150 = vector.broadcast %add3A_149 : f32 to vector<16xf32>
          %add3A_151 = arith.addf %get3A_148, %add3A_150 : vector<16xf32>
          %bitcast_convert_type3A_152 = tpu.bitcast %add3A_151 : vector<16xf32> -> vector<16xi32>
          %abs3A_153 = math.absf %get3A_148 : vector<16xf32>
          %xor3A_154 = arith.xori %xor3A_144, %bitcast_convert_type3A_152 : vector<16xi32>
          %min3A_155 = arith.minimumf %min3A_145, %abs3A_153 : vector<16xf32>
          %get3A_156 = arith.constant 144 : index
          %get3A_157 = tpu.vector_load %arg9[%get3A_156] {strides = array<i32>} : memref<1024xf32, #tpu.memory_space<vmem>>, vector<16xf32>,
          %get3A_158 = vector.shape_cast %get3A_157 : vector<16xf32> to vector<16xf32>
          %add3A_159 = arith.constant 9.99999996E-13 : f32
          %add3A_160 = vector.broadcast %add3A_159 : f32 to vector<16xf32>
          %add3A_161 = arith.addf %get3A_158, %add3A_160 : vector<16xf32>
          %bitcast_convert_type3A_162 = tpu.bitcast %add3A_161 : vector<16xf32> -> vector<16xi32>
          %abs3A_163 = math.absf %get3A_158 : vector<16xf32>
          %xor3A_164 = arith.xori %xor3A_154, %bitcast_convert_type3A_162 : vector<16xi32>
          %min3A_165 = arith.minimumf %min3A_155, %abs3A_163 : vector<16xf32>
          %get3A_166 = arith.constant 160 : index
          %get3A_167 = tpu.vector_load %arg9[%get3A_166] {strides = array<i32>} : memref<1024xf32, #tpu.memory_space<vmem>>, vector<16xf32>,
          %get3A_168 = vector.shape_cast %get3A_167 : vector<16xf32> to vector<16xf32>
          %add3A_169 = arith.constant 9.99999996E-13 : f32
          %add3A_170 = vector.broadcast %add3A_169 : f32 to vector<16xf32>
          %add3A_171 = arith.addf %get3A_168, %add3A_170 : vector<16xf32>
          %bitcast_convert_type3A_172 = tpu.bitcast %add3A_171 : vector<16xf32> -> vector<16xi32>
          %abs3A_173 = math.absf %get3A_168 : vector<16xf32>
          %xor3A_174 = arith.xori %xor3A_164, %bitcast_convert_type3A_172 : vector<16xi32>
          %min3A_175 = arith.minimumf %min3A_165, %abs3A_173 : vector<16xf32>
          %get3A_176 = arith.constant 176 : index
          %get3A_177 = tpu.vector_load %arg9[%get3A_176] {strides = array<i32>} : memref<1024xf32, #tpu.memory_space<vmem>>, vector<16xf32>,
          %get3A_178 = vector.shape_cast %get3A_177 : vector<16xf32> to vector<16xf32>
          %add3A_179 = arith.constant 9.99999996E-13 : f32
          %add3A_180 = vector.broadcast %add3A_179 : f32 to vector<16xf32>
          %add3A_181 = arith.addf %get3A_178, %add3A_180 : vector<16xf32>
          %bitcast_convert_type3A_182 = tpu.bitcast %add3A_181 : vector<16xf32> -> vector<16xi32>
          %abs3A_183 = math.absf %get3A_178 : vector<16xf32>
          %xor3A_184 = arith.xori %xor3A_174, %bitcast_convert_type3A_182 : vector<16xi32>
          %min3A_185 = arith.minimumf %min3A_175, %abs3A_183 : vector<16xf32>
          %get3A_186 = arith.constant 192 : index
          %get3A_187 = tpu.vector_load %arg9[%get3A_186] {strides = array<i32>} : memref<1024xf32, #tpu.memory_space<vmem>>, vector<16xf32>,
          %get3A_188 = vector.shape_cast %get3A_187 : vector<16xf32> to vector<16xf32>
          %add3A_189 = arith.constant 9.99999996E-13 : f32
          %add3A_190 = vector.broadcast %add3A_189 : f32 to vector<16xf32>
          %add3A_191 = arith.addf %get3A_188, %add3A_190 : vector<16xf32>
          %bitcast_convert_type3A_192 = tpu.bitcast %add3A_191 : vector<16xf32> -> vector<16xi32>
          %abs3A_193 = math.absf %get3A_188 : vector<16xf32>
          %xor3A_194 = arith.xori %xor3A_184, %bitcast_convert_type3A_192 : vector<16xi32>
          %min3A_195 = arith.minimumf %min3A_185, %abs3A_193 : vector<16xf32>
          %get3A_196 = arith.constant 208 : index
          %get3A_197 = tpu.vector_load %arg9[%get3A_196] {strides = array<i32>} : memref<1024xf32, #tpu.memory_space<vmem>>, vector<16xf32>,
          %get3A_198 = vector.shape_cast %get3A_197 : vector<16xf32> to vector<16xf32>
          %add3A_199 = arith.constant 9.99999996E-13 : f32
          %add3A_200 = vector.broadcast %add3A_199 : f32 to vector<16xf32>
          %add3A_201 = arith.addf %get3A_198, %add3A_200 : vector<16xf32>
          %bitcast_convert_type3A_202 = tpu.bitcast %add3A_201 : vector<16xf32> -> vector<16xi32>
          %abs3A_203 = math.absf %get3A_198 : vector<16xf32>
          %xor3A_204 = arith.xori %xor3A_194, %bitcast_convert_type3A_202 : vector<16xi32>
          %min3A_205 = arith.minimumf %min3A_195, %abs3A_203 : vector<16xf32>
          %get3A_206 = arith.constant 224 : index
          %get3A_207 = tpu.vector_load %arg9[%get3A_206] {strides = array<i32>} : memref<1024xf32, #tpu.memory_space<vmem>>, vector<16xf32>,
          %get3A_208 = vector.shape_cast %get3A_207 : vector<16xf32> to vector<16xf32>
          %add3A_209 = arith.constant 9.99999996E-13 : f32
          %add3A_210 = vector.broadcast %add3A_209 : f32 to vector<16xf32>
          %add3A_211 = arith.addf %get3A_208, %add3A_210 : vector<16xf32>
          %bitcast_convert_type3A_212 = tpu.bitcast %add3A_211 : vector<16xf32> -> vector<16xi32>
          %abs3A_213 = math.absf %get3A_208 : vector<16xf32>
          %xor3A_214 = arith.xori %xor3A_204, %bitcast_convert_type3A_212 : vector<16xi32>
          %min3A_215 = arith.minimumf %min3A_205, %abs3A_213 : vector<16xf32>
          %get3A_216 = arith.constant 240 : index
          %get3A_217 = tpu.vector_load %arg9[%get3A_216] {strides = array<i32>} : memref<1024xf32, #tpu.memory_space<vmem>>, vector<16xf32>,
          %get3A_218 = vector.shape_cast %get3A_217 : vector<16xf32> to vector<16xf32>
          %add3A_219 = arith.constant 9.99999996E-13 : f32
          %add3A_220 = vector.broadcast %add3A_219 : f32 to vector<16xf32>
          %add3A_221 = arith.addf %get3A_218, %add3A_220 : vector<16xf32>
          %bitcast_convert_type3A_222 = tpu.bitcast %add3A_221 : vector<16xf32> -> vector<16xi32>
          %abs3A_223 = math.absf %get3A_218 : vector<16xf32>
          %xor3A_224 = arith.xori %xor3A_214, %bitcast_convert_type3A_222 : vector<16xi32>
          %min3A_225 = arith.minimumf %min3A_215, %abs3A_223 : vector<16xf32>
          %get3A_226 = arith.constant 256 : index
          %get3A_227 = tpu.vector_load %arg9[%get3A_226] {strides = array<i32>} : memref<1024xf32, #tpu.memory_space<vmem>>, vector<16xf32>,
          %get3A_228 = vector.shape_cast %get3A_227 : vector<16xf32> to vector<16xf32>
          %add3A_229 = arith.constant 9.99999996E-13 : f32
          %add3A_230 = vector.broadcast %add3A_229 : f32 to vector<16xf32>
          %add3A_231 = arith.addf %get3A_228, %add3A_230 : vector<16xf32>
          %bitcast_convert_type3A_232 = tpu.bitcast %add3A_231 : vector<16xf32> -> vector<16xi32>
          %abs3A_233 = math.absf %get3A_228 : vector<16xf32>
          %xor3A_234 = arith.xori %xor3A_224, %bitcast_convert_type3A_232 : vector<16xi32>
          %min3A_235 = arith.minimumf %min3A_225, %abs3A_233 : vector<16xf32>
          %get3A_236 = arith.constant 272 : index
          %get3A_237 = tpu.vector_load %arg9[%get3A_236] {strides = array<i32>} : memref<1024xf32, #tpu.memory_space<vmem>>, vector<16xf32>,
          %get3A_238 = vector.shape_cast %get3A_237 : vector<16xf32> to vector<16xf32>
          %add3A_239 = arith.constant 9.99999996E-13 : f32
          %add3A_240 = vector.broadcast %add3A_239 : f32 to vector<16xf32>
          %add3A_241 = arith.addf %get3A_238, %add3A_240 : vector<16xf32>
          %bitcast_convert_type3A_242 = tpu.bitcast %add3A_241 : vector<16xf32> -> vector<16xi32>
          %abs3A_243 = math.absf %get3A_238 : vector<16xf32>
          %xor3A_244 = arith.xori %xor3A_234, %bitcast_convert_type3A_242 : vector<16xi32>
          %min3A_245 = arith.minimumf %min3A_235, %abs3A_243 : vector<16xf32>
          %get3A_246 = arith.constant 288 : index
          %get3A_247 = tpu.vector_load %arg9[%get3A_246] {strides = array<i32>} : memref<1024xf32, #tpu.memory_space<vmem>>, vector<16xf32>,
          %get3A_248 = vector.shape_cast %get3A_247 : vector<16xf32> to vector<16xf32>
          %add3A_249 = arith.constant 9.99999996E-13 : f32
          %add3A_250 = vector.broadcast %add3A_249 : f32 to vector<16xf32>
          %add3A_251 = arith.addf %get3A_248, %add3A_250 : vector<16xf32>
          %bitcast_convert_type3A_252 = tpu.bitcast %add3A_251 : vector<16xf32> -> vector<16xi32>
          %abs3A_253 = math.absf %get3A_248 : vector<16xf32>
          %xor3A_254 = arith.xori %xor3A_244, %bitcast_convert_type3A_252 : vector<16xi32>
          %min3A_255 = arith.minimumf %min3A_245, %abs3A_253 : vector<16xf32>
          %get3A_256 = arith.constant 304 : index
          %get3A_257 = tpu.vector_load %arg9[%get3A_256] {strides = array<i32>} : memref<1024xf32, #tpu.memory_space<vmem>>, vector<16xf32>,
          %get3A_258 = vector.shape_cast %get3A_257 : vector<16xf32> to vector<16xf32>
          %add3A_259 = arith.constant 9.99999996E-13 : f32
          %add3A_260 = vector.broadcast %add3A_259 : f32 to vector<16xf32>
          %add3A_261 = arith.addf %get3A_258, %add3A_260 : vector<16xf32>
          %bitcast_convert_type3A_262 = tpu.bitcast %add3A_261 : vector<16xf32> -> vector<16xi32>
          %abs3A_263 = math.absf %get3A_258 : vector<16xf32>
          %xor3A_264 = arith.xori %xor3A_254, %bitcast_convert_type3A_262 : vector<16xi32>
          %min3A_265 = arith.minimumf %min3A_255, %abs3A_263 : vector<16xf32>
          %get3A_266 = arith.constant 320 : index
          %get3A_267 = tpu.vector_load %arg9[%get3A_266] {strides = array<i32>} : memref<1024xf32, #tpu.memory_space<vmem>>, vector<16xf32>,
          %get3A_268 = vector.shape_cast %get3A_267 : vector<16xf32> to vector<16xf32>
          %add3A_269 = arith.constant 9.99999996E-13 : f32
          %add3A_270 = vector.broadcast %add3A_269 : f32 to vector<16xf32>
          %add3A_271 = arith.addf %get3A_268, %add3A_270 : vector<16xf32>
          %bitcast_convert_type3A_272 = tpu.bitcast %add3A_271 : vector<16xf32> -> vector<16xi32>
          %abs3A_273 = math.absf %get3A_268 : vector<16xf32>
          %xor3A_274 = arith.xori %xor3A_264, %bitcast_convert_type3A_272 : vector<16xi32>
          %min3A_275 = arith.minimumf %min3A_265, %abs3A_273 : vector<16xf32>
          %get3A_276 = arith.constant 336 : index
          %get3A_277 = tpu.vector_load %arg9[%get3A_276] {strides = array<i32>} : memref<1024xf32, #tpu.memory_space<vmem>>, vector<16xf32>,
          %get3A_278 = vector.shape_cast %get3A_277 : vector<16xf32> to vector<16xf32>
          %add3A_279 = arith.constant 9.99999996E-13 : f32
          %add3A_280 = vector.broadcast %add3A_279 : f32 to vector<16xf32>
          %add3A_281 = arith.addf %get3A_278, %add3A_280 : vector<16xf32>
          %bitcast_convert_type3A_282 = tpu.bitcast %add3A_281 : vector<16xf32> -> vector<16xi32>
          %abs3A_283 = math.absf %get3A_278 : vector<16xf32>
          %xor3A_284 = arith.xori %xor3A_274, %bitcast_convert_type3A_282 : vector<16xi32>
          %min3A_285 = arith.minimumf %min3A_275, %abs3A_283 : vector<16xf32>
          %get3A_286 = arith.constant 352 : index
          %get3A_287 = tpu.vector_load %arg9[%get3A_286] {strides = array<i32>} : memref<1024xf32, #tpu.memory_space<vmem>>, vector<16xf32>,
          %get3A_288 = vector.shape_cast %get3A_287 : vector<16xf32> to vector<16xf32>
          %add3A_289 = arith.constant 9.99999996E-13 : f32
          %add3A_290 = vector.broadcast %add3A_289 : f32 to vector<16xf32>
          %add3A_291 = arith.addf %get3A_288, %add3A_290 : vector<16xf32>
          %bitcast_convert_type3A_292 = tpu.bitcast %add3A_291 : vector<16xf32> -> vector<16xi32>
          %abs3A_293 = math.absf %get3A_288 : vector<16xf32>
          %xor3A_294 = arith.xori %xor3A_284, %bitcast_convert_type3A_292 : vector<16xi32>
          %min3A_295 = arith.minimumf %min3A_285, %abs3A_293 : vector<16xf32>
          %get3A_296 = arith.constant 368 : index
          %get3A_297 = tpu.vector_load %arg9[%get3A_296] {strides = array<i32>} : memref<1024xf32, #tpu.memory_space<vmem>>, vector<16xf32>,
          %get3A_298 = vector.shape_cast %get3A_297 : vector<16xf32> to vector<16xf32>
          %add3A_299 = arith.constant 9.99999996E-13 : f32
          %add3A_300 = vector.broadcast %add3A_299 : f32 to vector<16xf32>
          %add3A_301 = arith.addf %get3A_298, %add3A_300 : vector<16xf32>
          %bitcast_convert_type3A_302 = tpu.bitcast %add3A_301 : vector<16xf32> -> vector<16xi32>
          %abs3A_303 = math.absf %get3A_298 : vector<16xf32>
          %xor3A_304 = arith.xori %xor3A_294, %bitcast_convert_type3A_302 : vector<16xi32>
          %min3A_305 = arith.minimumf %min3A_295, %abs3A_303 : vector<16xf32>
          %get3A_306 = arith.constant 384 : index
          %get3A_307 = tpu.vector_load %arg9[%get3A_306] {strides = array<i32>} : memref<1024xf32, #tpu.memory_space<vmem>>, vector<16xf32>,
          %get3A_308 = vector.shape_cast %get3A_307 : vector<16xf32> to vector<16xf32>
          %add3A_309 = arith.constant 9.99999996E-13 : f32
          %add3A_310 = vector.broadcast %add3A_309 : f32 to vector<16xf32>
          %add3A_311 = arith.addf %get3A_308, %add3A_310 : vector<16xf32>
          %bitcast_convert_type3A_312 = tpu.bitcast %add3A_311 : vector<16xf32> -> vector<16xi32>
          %abs3A_313 = math.absf %get3A_308 : vector<16xf32>
          %xor3A_314 = arith.xori %xor3A_304, %bitcast_convert_type3A_312 : vector<16xi32>
          %min3A_315 = arith.minimumf %min3A_305, %abs3A_313 : vector<16xf32>
          %get3A_316 = arith.constant 400 : index
          %get3A_317 = tpu.vector_load %arg9[%get3A_316] {strides = array<i32>} : memref<1024xf32, #tpu.memory_space<vmem>>, vector<16xf32>,
          %get3A_318 = vector.shape_cast %get3A_317 : vector<16xf32> to vector<16xf32>
          %add3A_319 = arith.constant 9.99999996E-13 : f32
          %add3A_320 = vector.broadcast %add3A_319 : f32 to vector<16xf32>
          %add3A_321 = arith.addf %get3A_318, %add3A_320 : vector<16xf32>
          %bitcast_convert_type3A_322 = tpu.bitcast %add3A_321 : vector<16xf32> -> vector<16xi32>
          %abs3A_323 = math.absf %get3A_318 : vector<16xf32>
          %xor3A_324 = arith.xori %xor3A_314, %bitcast_convert_type3A_322 : vector<16xi32>
          %min3A_325 = arith.minimumf %min3A_315, %abs3A_323 : vector<16xf32>
          %get3A_326 = arith.constant 416 : index
          %get3A_327 = tpu.vector_load %arg9[%get3A_326] {strides = array<i32>} : memref<1024xf32, #tpu.memory_space<vmem>>, vector<16xf32>,
          %get3A_328 = vector.shape_cast %get3A_327 : vector<16xf32> to vector<16xf32>
          %add3A_329 = arith.constant 9.99999996E-13 : f32
          %add3A_330 = vector.broadcast %add3A_329 : f32 to vector<16xf32>
          %add3A_331 = arith.addf %get3A_328, %add3A_330 : vector<16xf32>
          %bitcast_convert_type3A_332 = tpu.bitcast %add3A_331 : vector<16xf32> -> vector<16xi32>
          %abs3A_333 = math.absf %get3A_328 : vector<16xf32>
          %xor3A_334 = arith.xori %xor3A_324, %bitcast_convert_type3A_332 : vector<16xi32>
          %min3A_335 = arith.minimumf %min3A_325, %abs3A_333 : vector<16xf32>
          %get3A_336 = arith.constant 432 : index
          %get3A_337 = tpu.vector_load %arg9[%get3A_336] {strides = array<i32>} : memref<1024xf32, #tpu.memory_space<vmem>>, vector<16xf32>,
          %get3A_338 = vector.shape_cast %get3A_337 : vector<16xf32> to vector<16xf32>
          %add3A_339 = arith.constant 9.99999996E-13 : f32
          %add3A_340 = vector.broadcast %add3A_339 : f32 to vector<16xf32>
          %add3A_341 = arith.addf %get3A_338, %add3A_340 : vector<16xf32>
          %bitcast_convert_type3A_342 = tpu.bitcast %add3A_341 : vector<16xf32> -> vector<16xi32>
          %abs3A_343 = math.absf %get3A_338 : vector<16xf32>
          %xor3A_344 = arith.xori %xor3A_334, %bitcast_convert_type3A_342 : vector<16xi32>
          %min3A_345 = arith.minimumf %min3A_335, %abs3A_343 : vector<16xf32>
          %get3A_346 = arith.constant 448 : index
          %get3A_347 = tpu.vector_load %arg9[%get3A_346] {strides = array<i32>} : memref<1024xf32, #tpu.memory_space<vmem>>, vector<16xf32>,
          %get3A_348 = vector.shape_cast %get3A_347 : vector<16xf32> to vector<16xf32>
          %add3A_349 = arith.constant 9.99999996E-13 : f32
          %add3A_350 = vector.broadcast %add3A_349 : f32 to vector<16xf32>
          %add3A_351 = arith.addf %get3A_348, %add3A_350 : vector<16xf32>
          %bitcast_convert_type3A_352 = tpu.bitcast %add3A_351 : vector<16xf32> -> vector<16xi32>
          %abs3A_353 = math.absf %get3A_348 : vector<16xf32>
          %xor3A_354 = arith.xori %xor3A_344, %bitcast_convert_type3A_352 : vector<16xi32>
          %min3A_355 = arith.minimumf %min3A_345, %abs3A_353 : vector<16xf32>
          %get3A_356 = arith.constant 464 : index
          %get3A_357 = tpu.vector_load %arg9[%get3A_356] {strides = array<i32>} : memref<1024xf32, #tpu.memory_space<vmem>>, vector<16xf32>,
          %get3A_358 = vector.shape_cast %get3A_357 : vector<16xf32> to vector<16xf32>
          %add3A_359 = arith.constant 9.99999996E-13 : f32
          %add3A_360 = vector.broadcast %add3A_359 : f32 to vector<16xf32>
          %add3A_361 = arith.addf %get3A_358, %add3A_360 : vector<16xf32>
          %bitcast_convert_type3A_362 = tpu.bitcast %add3A_361 : vector<16xf32> -> vector<16xi32>
          %abs3A_363 = math.absf %get3A_358 : vector<16xf32>
          %xor3A_364 = arith.xori %xor3A_354, %bitcast_convert_type3A_362 : vector<16xi32>
          %min3A_365 = arith.minimumf %min3A_355, %abs3A_363 : vector<16xf32>
          %get3A_366 = arith.constant 480 : index
          %get3A_367 = tpu.vector_load %arg9[%get3A_366] {strides = array<i32>} : memref<1024xf32, #tpu.memory_space<vmem>>, vector<16xf32>,
          %get3A_368 = vector.shape_cast %get3A_367 : vector<16xf32> to vector<16xf32>
          %add3A_369 = arith.constant 9.99999996E-13 : f32
          %add3A_370 = vector.broadcast %add3A_369 : f32 to vector<16xf32>
          %add3A_371 = arith.addf %get3A_368, %add3A_370 : vector<16xf32>
          %bitcast_convert_type3A_372 = tpu.bitcast %add3A_371 : vector<16xf32> -> vector<16xi32>
          %abs3A_373 = math.absf %get3A_368 : vector<16xf32>
          %xor3A_374 = arith.xori %xor3A_364, %bitcast_convert_type3A_372 : vector<16xi32>
          %min3A_375 = arith.minimumf %min3A_365, %abs3A_373 : vector<16xf32>
          %get3A_376 = arith.constant 496 : index
          %get3A_377 = tpu.vector_load %arg9[%get3A_376] {strides = array<i32>} : memref<1024xf32, #tpu.memory_space<vmem>>, vector<16xf32>,
          %get3A_378 = vector.shape_cast %get3A_377 : vector<16xf32> to vector<16xf32>
          %add3A_379 = arith.constant 9.99999996E-13 : f32
          %add3A_380 = vector.broadcast %add3A_379 : f32 to vector<16xf32>
          %add3A_381 = arith.addf %get3A_378, %add3A_380 : vector<16xf32>
          %bitcast_convert_type3A_382 = tpu.bitcast %add3A_381 : vector<16xf32> -> vector<16xi32>
          %abs3A_383 = math.absf %get3A_378 : vector<16xf32>
          %xor3A_384 = arith.xori %xor3A_374, %bitcast_convert_type3A_382 : vector<16xi32>
          %min3A_385 = arith.minimumf %min3A_375, %abs3A_383 : vector<16xf32>
          %and3A = arith.andi %xor3A_384, %broadcast_in_dim3A_5 : vector<16xi32>
          %mul3A_386 = arith.mulf %get3A_4, %min3A_385 : vector<16xf32>
          %bitcast_convert_type3A_387 = tpu.bitcast %mul3A_386 : vector<16xf32> -> vector<16xi32>
          %xor3A_388 = arith.xori %bitcast_convert_type3A_387, %and3A : vector<16xi32>
          %bitcast_convert_type3A_389 = tpu.bitcast %xor3A_388 : vector<16xi32> -> vector<16xf32>
          %mul3A_390 = arith.constant 3136 : i32
          %mul3A_391 = arith.muli %arg1, %mul3A_390 : i32
          %mul3A_392 = arith.constant 2 : i32
          %mul3A_393 = arith.muli %scan3A_43, %mul3A_392 : i32
          %add3A_394 = arith.constant 0 : i32
          %add3A_395 = arith.addi %mul3A_393, %add3A_394 : i32
          %mul3A_396 = arith.constant 16 : i32
          %mul3A_397 = arith.muli %add3A_395, %mul3A_396 : i32
          %add3A_398 = arith.addi %mul3A_391, %mul3A_397 : i32
          %add3A_399 = vector.broadcast %add3A_398 : i32 to vector<16xi32>
          %add3A_400 = arith.addi %add3A_399, %iota3A : vector<16xi32>
          %lt3A = arith.constant 50000 : i32
          %lt3A_401 = vector.broadcast %lt3A : i32 to vector<16xi32>
          %lt3A_402 = arith.cmpi slt, %add3A_400, %lt3A_401 : vector<16xi32>
          %jit3A = arith.constant 0.000000e+00 : f32
          %broadcast_in_dim3A_403 = vector.broadcast %jit3A : f32 to vector<16xf32>
          %select_n3A = arith.select %lt3A_402, %bitcast_convert_type3A_389, %broadcast_in_dim3A_403 : vector<16xi1>, vector<16xf32>
          %mul3A_404 = arith.constant 2 : i32
          %mul3A_405 = arith.muli %scan3A_43, %mul3A_404 : i32
          %add3A_406 = arith.constant 0 : i32
          %add3A_407 = arith.addi %mul3A_405, %add3A_406 : i32
          %mul3A_408 = arith.constant 16 : i32
          %mul3A_409 = arith.muli %add3A_407, %mul3A_408 : i32
          %swap3A = arith.index_cast %mul3A_409 : i32 to index
          %swap3A_410 = tpu.vector_load %arg14[%swap3A] {strides = array<i32>} : memref<3136xf32, #tpu.memory_space<vmem>>, vector<16xf32>,
          %swap3A_411 = vector.shape_cast %swap3A_410 : vector<16xf32> to vector<16xf32>
          %swap3A_412 = vector.shape_cast %select_n3A : vector<16xf32> to vector<16xf32>
          tpu.vector_store %arg14[%swap3A], %swap3A_412 {strides = array<i32>} : memref<3136xf32, #tpu.memory_space<vmem>>, vector<16xf32>,
          %get3A_413 = arith.constant 512 : index
          %get3A_414 = tpu.vector_load %arg9[%get3A_413] {strides = array<i32>} : memref<1024xf32, #tpu.memory_space<vmem>>, vector<16xf32>,
          %get3A_415 = vector.shape_cast %get3A_414 : vector<16xf32> to vector<16xf32>
          %add3A_416 = arith.constant 9.99999996E-13 : f32
          %add3A_417 = vector.broadcast %add3A_416 : f32 to vector<16xf32>
          %add3A_418 = arith.addf %get3A_415, %add3A_417 : vector<16xf32>
          %bitcast_convert_type3A_419 = tpu.bitcast %add3A_418 : vector<16xf32> -> vector<16xi32>
          %abs3A_420 = math.absf %get3A_415 : vector<16xf32>
          %get3A_421 = arith.constant 528 : index
          %get3A_422 = tpu.vector_load %arg9[%get3A_421] {strides = array<i32>} : memref<1024xf32, #tpu.memory_space<vmem>>, vector<16xf32>,
          %get3A_423 = vector.shape_cast %get3A_422 : vector<16xf32> to vector<16xf32>
          %add3A_424 = arith.constant 9.99999996E-13 : f32
          %add3A_425 = vector.broadcast %add3A_424 : f32 to vector<16xf32>
          %add3A_426 = arith.addf %get3A_423, %add3A_425 : vector<16xf32>
          %bitcast_convert_type3A_427 = tpu.bitcast %add3A_426 : vector<16xf32> -> vector<16xi32>
          %abs3A_428 = math.absf %get3A_423 : vector<16xf32>
          %xor3A_429 = arith.xori %bitcast_convert_type3A_419, %bitcast_convert_type3A_427 : vector<16xi32>
          %min3A_430 = arith.minimumf %abs3A_420, %abs3A_428 : vector<16xf32>
          %get3A_431 = arith.constant 544 : index
          %get3A_432 = tpu.vector_load %arg9[%get3A_431] {strides = array<i32>} : memref<1024xf32, #tpu.memory_space<vmem>>, vector<16xf32>,
          %get3A_433 = vector.shape_cast %get3A_432 : vector<16xf32> to vector<16xf32>
          %add3A_434 = arith.constant 9.99999996E-13 : f32
          %add3A_435 = vector.broadcast %add3A_434 : f32 to vector<16xf32>
          %add3A_436 = arith.addf %get3A_433, %add3A_435 : vector<16xf32>
          %bitcast_convert_type3A_437 = tpu.bitcast %add3A_436 : vector<16xf32> -> vector<16xi32>
          %abs3A_438 = math.absf %get3A_433 : vector<16xf32>
          %xor3A_439 = arith.xori %xor3A_429, %bitcast_convert_type3A_437 : vector<16xi32>
          %min3A_440 = arith.minimumf %min3A_430, %abs3A_438 : vector<16xf32>
          %get3A_441 = arith.constant 560 : index
          %get3A_442 = tpu.vector_load %arg9[%get3A_441] {strides = array<i32>} : memref<1024xf32, #tpu.memory_space<vmem>>, vector<16xf32>,
          %get3A_443 = vector.shape_cast %get3A_442 : vector<16xf32> to vector<16xf32>
          %add3A_444 = arith.constant 9.99999996E-13 : f32
          %add3A_445 = vector.broadcast %add3A_444 : f32 to vector<16xf32>
          %add3A_446 = arith.addf %get3A_443, %add3A_445 : vector<16xf32>
          %bitcast_convert_type3A_447 = tpu.bitcast %add3A_446 : vector<16xf32> -> vector<16xi32>
          %abs3A_448 = math.absf %get3A_443 : vector<16xf32>
          %xor3A_449 = arith.xori %xor3A_439, %bitcast_convert_type3A_447 : vector<16xi32>
          %min3A_450 = arith.minimumf %min3A_440, %abs3A_448 : vector<16xf32>
          %get3A_451 = arith.constant 576 : index
          %get3A_452 = tpu.vector_load %arg9[%get3A_451] {strides = array<i32>} : memref<1024xf32, #tpu.memory_space<vmem>>, vector<16xf32>,
          %get3A_453 = vector.shape_cast %get3A_452 : vector<16xf32> to vector<16xf32>
          %add3A_454 = arith.constant 9.99999996E-13 : f32
          %add3A_455 = vector.broadcast %add3A_454 : f32 to vector<16xf32>
          %add3A_456 = arith.addf %get3A_453, %add3A_455 : vector<16xf32>
          %bitcast_convert_type3A_457 = tpu.bitcast %add3A_456 : vector<16xf32> -> vector<16xi32>
          %abs3A_458 = math.absf %get3A_453 : vector<16xf32>
          %xor3A_459 = arith.xori %xor3A_449, %bitcast_convert_type3A_457 : vector<16xi32>
          %min3A_460 = arith.minimumf %min3A_450, %abs3A_458 : vector<16xf32>
          %get3A_461 = arith.constant 592 : index
          %get3A_462 = tpu.vector_load %arg9[%get3A_461] {strides = array<i32>} : memref<1024xf32, #tpu.memory_space<vmem>>, vector<16xf32>,
          %get3A_463 = vector.shape_cast %get3A_462 : vector<16xf32> to vector<16xf32>
          %add3A_464 = arith.constant 9.99999996E-13 : f32
          %add3A_465 = vector.broadcast %add3A_464 : f32 to vector<16xf32>
          %add3A_466 = arith.addf %get3A_463, %add3A_465 : vector<16xf32>
          %bitcast_convert_type3A_467 = tpu.bitcast %add3A_466 : vector<16xf32> -> vector<16xi32>
          %abs3A_468 = math.absf %get3A_463 : vector<16xf32>
          %xor3A_469 = arith.xori %xor3A_459, %bitcast_convert_type3A_467 : vector<16xi32>
          %min3A_470 = arith.minimumf %min3A_460, %abs3A_468 : vector<16xf32>
          %get3A_471 = arith.constant 608 : index
          %get3A_472 = tpu.vector_load %arg9[%get3A_471] {strides = array<i32>} : memref<1024xf32, #tpu.memory_space<vmem>>, vector<16xf32>,
          %get3A_473 = vector.shape_cast %get3A_472 : vector<16xf32> to vector<16xf32>
          %add3A_474 = arith.constant 9.99999996E-13 : f32
          %add3A_475 = vector.broadcast %add3A_474 : f32 to vector<16xf32>
          %add3A_476 = arith.addf %get3A_473, %add3A_475 : vector<16xf32>
          %bitcast_convert_type3A_477 = tpu.bitcast %add3A_476 : vector<16xf32> -> vector<16xi32>
          %abs3A_478 = math.absf %get3A_473 : vector<16xf32>
          %xor3A_479 = arith.xori %xor3A_469, %bitcast_convert_type3A_477 : vector<16xi32>
          %min3A_480 = arith.minimumf %min3A_470, %abs3A_478 : vector<16xf32>
          %get3A_481 = arith.constant 624 : index
          %get3A_482 = tpu.vector_load %arg9[%get3A_481] {strides = array<i32>} : memref<1024xf32, #tpu.memory_space<vmem>>, vector<16xf32>,
          %get3A_483 = vector.shape_cast %get3A_482 : vector<16xf32> to vector<16xf32>
          %add3A_484 = arith.constant 9.99999996E-13 : f32
          %add3A_485 = vector.broadcast %add3A_484 : f32 to vector<16xf32>
          %add3A_486 = arith.addf %get3A_483, %add3A_485 : vector<16xf32>
          %bitcast_convert_type3A_487 = tpu.bitcast %add3A_486 : vector<16xf32> -> vector<16xi32>
          %abs3A_488 = math.absf %get3A_483 : vector<16xf32>
          %xor3A_489 = arith.xori %xor3A_479, %bitcast_convert_type3A_487 : vector<16xi32>
          %min3A_490 = arith.minimumf %min3A_480, %abs3A_488 : vector<16xf32>
          %get3A_491 = arith.constant 640 : index
          %get3A_492 = tpu.vector_load %arg9[%get3A_491] {strides = array<i32>} : memref<1024xf32, #tpu.memory_space<vmem>>, vector<16xf32>,
          %get3A_493 = vector.shape_cast %get3A_492 : vector<16xf32> to vector<16xf32>
          %add3A_494 = arith.constant 9.99999996E-13 : f32
          %add3A_495 = vector.broadcast %add3A_494 : f32 to vector<16xf32>
          %add3A_496 = arith.addf %get3A_493, %add3A_495 : vector<16xf32>
          %bitcast_convert_type3A_497 = tpu.bitcast %add3A_496 : vector<16xf32> -> vector<16xi32>
          %abs3A_498 = math.absf %get3A_493 : vector<16xf32>
          %xor3A_499 = arith.xori %xor3A_489, %bitcast_convert_type3A_497 : vector<16xi32>
          %min3A_500 = arith.minimumf %min3A_490, %abs3A_498 : vector<16xf32>
          %get3A_501 = arith.constant 656 : index
          %get3A_502 = tpu.vector_load %arg9[%get3A_501] {strides = array<i32>} : memref<1024xf32, #tpu.memory_space<vmem>>, vector<16xf32>,
          %get3A_503 = vector.shape_cast %get3A_502 : vector<16xf32> to vector<16xf32>
          %add3A_504 = arith.constant 9.99999996E-13 : f32
          %add3A_505 = vector.broadcast %add3A_504 : f32 to vector<16xf32>
          %add3A_506 = arith.addf %get3A_503, %add3A_505 : vector<16xf32>
          %bitcast_convert_type3A_507 = tpu.bitcast %add3A_506 : vector<16xf32> -> vector<16xi32>
          %abs3A_508 = math.absf %get3A_503 : vector<16xf32>
          %xor3A_509 = arith.xori %xor3A_499, %bitcast_convert_type3A_507 : vector<16xi32>
          %min3A_510 = arith.minimumf %min3A_500, %abs3A_508 : vector<16xf32>
          %get3A_511 = arith.constant 672 : index
          %get3A_512 = tpu.vector_load %arg9[%get3A_511] {strides = array<i32>} : memref<1024xf32, #tpu.memory_space<vmem>>, vector<16xf32>,
          %get3A_513 = vector.shape_cast %get3A_512 : vector<16xf32> to vector<16xf32>
          %add3A_514 = arith.constant 9.99999996E-13 : f32
          %add3A_515 = vector.broadcast %add3A_514 : f32 to vector<16xf32>
          %add3A_516 = arith.addf %get3A_513, %add3A_515 : vector<16xf32>
          %bitcast_convert_type3A_517 = tpu.bitcast %add3A_516 : vector<16xf32> -> vector<16xi32>
          %abs3A_518 = math.absf %get3A_513 : vector<16xf32>
          %xor3A_519 = arith.xori %xor3A_509, %bitcast_convert_type3A_517 : vector<16xi32>
          %min3A_520 = arith.minimumf %min3A_510, %abs3A_518 : vector<16xf32>
          %get3A_521 = arith.constant 688 : index
          %get3A_522 = tpu.vector_load %arg9[%get3A_521] {strides = array<i32>} : memref<1024xf32, #tpu.memory_space<vmem>>, vector<16xf32>,
          %get3A_523 = vector.shape_cast %get3A_522 : vector<16xf32> to vector<16xf32>
          %add3A_524 = arith.constant 9.99999996E-13 : f32
          %add3A_525 = vector.broadcast %add3A_524 : f32 to vector<16xf32>
          %add3A_526 = arith.addf %get3A_523, %add3A_525 : vector<16xf32>
          %bitcast_convert_type3A_527 = tpu.bitcast %add3A_526 : vector<16xf32> -> vector<16xi32>
          %abs3A_528 = math.absf %get3A_523 : vector<16xf32>
          %xor3A_529 = arith.xori %xor3A_519, %bitcast_convert_type3A_527 : vector<16xi32>
          %min3A_530 = arith.minimumf %min3A_520, %abs3A_528 : vector<16xf32>
          %get3A_531 = arith.constant 704 : index
          %get3A_532 = tpu.vector_load %arg9[%get3A_531] {strides = array<i32>} : memref<1024xf32, #tpu.memory_space<vmem>>, vector<16xf32>,
          %get3A_533 = vector.shape_cast %get3A_532 : vector<16xf32> to vector<16xf32>
          %add3A_534 = arith.constant 9.99999996E-13 : f32
          %add3A_535 = vector.broadcast %add3A_534 : f32 to vector<16xf32>
          %add3A_536 = arith.addf %get3A_533, %add3A_535 : vector<16xf32>
          %bitcast_convert_type3A_537 = tpu.bitcast %add3A_536 : vector<16xf32> -> vector<16xi32>
          %abs3A_538 = math.absf %get3A_533 : vector<16xf32>
          %xor3A_539 = arith.xori %xor3A_529, %bitcast_convert_type3A_537 : vector<16xi32>
          %min3A_540 = arith.minimumf %min3A_530, %abs3A_538 : vector<16xf32>
          %get3A_541 = arith.constant 720 : index
          %get3A_542 = tpu.vector_load %arg9[%get3A_541] {strides = array<i32>} : memref<1024xf32, #tpu.memory_space<vmem>>, vector<16xf32>,
          %get3A_543 = vector.shape_cast %get3A_542 : vector<16xf32> to vector<16xf32>
          %add3A_544 = arith.constant 9.99999996E-13 : f32
          %add3A_545 = vector.broadcast %add3A_544 : f32 to vector<16xf32>
          %add3A_546 = arith.addf %get3A_543, %add3A_545 : vector<16xf32>
          %bitcast_convert_type3A_547 = tpu.bitcast %add3A_546 : vector<16xf32> -> vector<16xi32>
          %abs3A_548 = math.absf %get3A_543 : vector<16xf32>
          %xor3A_549 = arith.xori %xor3A_539, %bitcast_convert_type3A_547 : vector<16xi32>
          %min3A_550 = arith.minimumf %min3A_540, %abs3A_548 : vector<16xf32>
          %get3A_551 = arith.constant 736 : index
          %get3A_552 = tpu.vector_load %arg9[%get3A_551] {strides = array<i32>} : memref<1024xf32, #tpu.memory_space<vmem>>, vector<16xf32>,
          %get3A_553 = vector.shape_cast %get3A_552 : vector<16xf32> to vector<16xf32>
          %add3A_554 = arith.constant 9.99999996E-13 : f32
          %add3A_555 = vector.broadcast %add3A_554 : f32 to vector<16xf32>
          %add3A_556 = arith.addf %get3A_553, %add3A_555 : vector<16xf32>
          %bitcast_convert_type3A_557 = tpu.bitcast %add3A_556 : vector<16xf32> -> vector<16xi32>
          %abs3A_558 = math.absf %get3A_553 : vector<16xf32>
          %xor3A_559 = arith.xori %xor3A_549, %bitcast_convert_type3A_557 : vector<16xi32>
          %min3A_560 = arith.minimumf %min3A_550, %abs3A_558 : vector<16xf32>
          %get3A_561 = arith.constant 752 : index
          %get3A_562 = tpu.vector_load %arg9[%get3A_561] {strides = array<i32>} : memref<1024xf32, #tpu.memory_space<vmem>>, vector<16xf32>,
          %get3A_563 = vector.shape_cast %get3A_562 : vector<16xf32> to vector<16xf32>
          %add3A_564 = arith.constant 9.99999996E-13 : f32
          %add3A_565 = vector.broadcast %add3A_564 : f32 to vector<16xf32>
          %add3A_566 = arith.addf %get3A_563, %add3A_565 : vector<16xf32>
          %bitcast_convert_type3A_567 = tpu.bitcast %add3A_566 : vector<16xf32> -> vector<16xi32>
          %abs3A_568 = math.absf %get3A_563 : vector<16xf32>
          %xor3A_569 = arith.xori %xor3A_559, %bitcast_convert_type3A_567 : vector<16xi32>
          %min3A_570 = arith.minimumf %min3A_560, %abs3A_568 : vector<16xf32>
          %get3A_571 = arith.constant 768 : index
          %get3A_572 = tpu.vector_load %arg9[%get3A_571] {strides = array<i32>} : memref<1024xf32, #tpu.memory_space<vmem>>, vector<16xf32>,
          %get3A_573 = vector.shape_cast %get3A_572 : vector<16xf32> to vector<16xf32>
          %add3A_574 = arith.constant 9.99999996E-13 : f32
          %add3A_575 = vector.broadcast %add3A_574 : f32 to vector<16xf32>
          %add3A_576 = arith.addf %get3A_573, %add3A_575 : vector<16xf32>
          %bitcast_convert_type3A_577 = tpu.bitcast %add3A_576 : vector<16xf32> -> vector<16xi32>
          %abs3A_578 = math.absf %get3A_573 : vector<16xf32>
          %xor3A_579 = arith.xori %xor3A_569, %bitcast_convert_type3A_577 : vector<16xi32>
          %min3A_580 = arith.minimumf %min3A_570, %abs3A_578 : vector<16xf32>
          %get3A_581 = arith.constant 784 : index
          %get3A_582 = tpu.vector_load %arg9[%get3A_581] {strides = array<i32>} : memref<1024xf32, #tpu.memory_space<vmem>>, vector<16xf32>,
          %get3A_583 = vector.shape_cast %get3A_582 : vector<16xf32> to vector<16xf32>
          %add3A_584 = arith.constant 9.99999996E-13 : f32
          %add3A_585 = vector.broadcast %add3A_584 : f32 to vector<16xf32>
          %add3A_586 = arith.addf %get3A_583, %add3A_585 : vector<16xf32>
          %bitcast_convert_type3A_587 = tpu.bitcast %add3A_586 : vector<16xf32> -> vector<16xi32>
          %abs3A_588 = math.absf %get3A_583 : vector<16xf32>
          %xor3A_589 = arith.xori %xor3A_579, %bitcast_convert_type3A_587 : vector<16xi32>
          %min3A_590 = arith.minimumf %min3A_580, %abs3A_588 : vector<16xf32>
          %get3A_591 = arith.constant 800 : index
          %get3A_592 = tpu.vector_load %arg9[%get3A_591] {strides = array<i32>} : memref<1024xf32, #tpu.memory_space<vmem>>, vector<16xf32>,
          %get3A_593 = vector.shape_cast %get3A_592 : vector<16xf32> to vector<16xf32>
          %add3A_594 = arith.constant 9.99999996E-13 : f32
          %add3A_595 = vector.broadcast %add3A_594 : f32 to vector<16xf32>
          %add3A_596 = arith.addf %get3A_593, %add3A_595 : vector<16xf32>
          %bitcast_convert_type3A_597 = tpu.bitcast %add3A_596 : vector<16xf32> -> vector<16xi32>
          %abs3A_598 = math.absf %get3A_593 : vector<16xf32>
          %xor3A_599 = arith.xori %xor3A_589, %bitcast_convert_type3A_597 : vector<16xi32>
          %min3A_600 = arith.minimumf %min3A_590, %abs3A_598 : vector<16xf32>
          %get3A_601 = arith.constant 816 : index
          %get3A_602 = tpu.vector_load %arg9[%get3A_601] {strides = array<i32>} : memref<1024xf32, #tpu.memory_space<vmem>>, vector<16xf32>,
          %get3A_603 = vector.shape_cast %get3A_602 : vector<16xf32> to vector<16xf32>
          %add3A_604 = arith.constant 9.99999996E-13 : f32
          %add3A_605 = vector.broadcast %add3A_604 : f32 to vector<16xf32>
          %add3A_606 = arith.addf %get3A_603, %add3A_605 : vector<16xf32>
          %bitcast_convert_type3A_607 = tpu.bitcast %add3A_606 : vector<16xf32> -> vector<16xi32>
          %abs3A_608 = math.absf %get3A_603 : vector<16xf32>
          %xor3A_609 = arith.xori %xor3A_599, %bitcast_convert_type3A_607 : vector<16xi32>
          %min3A_610 = arith.minimumf %min3A_600, %abs3A_608 : vector<16xf32>
          %get3A_611 = arith.constant 832 : index
          %get3A_612 = tpu.vector_load %arg9[%get3A_611] {strides = array<i32>} : memref<1024xf32, #tpu.memory_space<vmem>>, vector<16xf32>,
          %get3A_613 = vector.shape_cast %get3A_612 : vector<16xf32> to vector<16xf32>
          %add3A_614 = arith.constant 9.99999996E-13 : f32
          %add3A_615 = vector.broadcast %add3A_614 : f32 to vector<16xf32>
          %add3A_616 = arith.addf %get3A_613, %add3A_615 : vector<16xf32>
          %bitcast_convert_type3A_617 = tpu.bitcast %add3A_616 : vector<16xf32> -> vector<16xi32>
          %abs3A_618 = math.absf %get3A_613 : vector<16xf32>
          %xor3A_619 = arith.xori %xor3A_609, %bitcast_convert_type3A_617 : vector<16xi32>
          %min3A_620 = arith.minimumf %min3A_610, %abs3A_618 : vector<16xf32>
          %get3A_621 = arith.constant 848 : index
          %get3A_622 = tpu.vector_load %arg9[%get3A_621] {strides = array<i32>} : memref<1024xf32, #tpu.memory_space<vmem>>, vector<16xf32>,
          %get3A_623 = vector.shape_cast %get3A_622 : vector<16xf32> to vector<16xf32>
          %add3A_624 = arith.constant 9.99999996E-13 : f32
          %add3A_625 = vector.broadcast %add3A_624 : f32 to vector<16xf32>
          %add3A_626 = arith.addf %get3A_623, %add3A_625 : vector<16xf32>
          %bitcast_convert_type3A_627 = tpu.bitcast %add3A_626 : vector<16xf32> -> vector<16xi32>
          %abs3A_628 = math.absf %get3A_623 : vector<16xf32>
          %xor3A_629 = arith.xori %xor3A_619, %bitcast_convert_type3A_627 : vector<16xi32>
          %min3A_630 = arith.minimumf %min3A_620, %abs3A_628 : vector<16xf32>
          %get3A_631 = arith.constant 864 : index
          %get3A_632 = tpu.vector_load %arg9[%get3A_631] {strides = array<i32>} : memref<1024xf32, #tpu.memory_space<vmem>>, vector<16xf32>,
          %get3A_633 = vector.shape_cast %get3A_632 : vector<16xf32> to vector<16xf32>
          %add3A_634 = arith.constant 9.99999996E-13 : f32
          %add3A_635 = vector.broadcast %add3A_634 : f32 to vector<16xf32>
          %add3A_636 = arith.addf %get3A_633, %add3A_635 : vector<16xf32>
          %bitcast_convert_type3A_637 = tpu.bitcast %add3A_636 : vector<16xf32> -> vector<16xi32>
          %abs3A_638 = math.absf %get3A_633 : vector<16xf32>
          %xor3A_639 = arith.xori %xor3A_629, %bitcast_convert_type3A_637 : vector<16xi32>
          %min3A_640 = arith.minimumf %min3A_630, %abs3A_638 : vector<16xf32>
          %get3A_641 = arith.constant 880 : index
          %get3A_642 = tpu.vector_load %arg9[%get3A_641] {strides = array<i32>} : memref<1024xf32, #tpu.memory_space<vmem>>, vector<16xf32>,
          %get3A_643 = vector.shape_cast %get3A_642 : vector<16xf32> to vector<16xf32>
          %add3A_644 = arith.constant 9.99999996E-13 : f32
          %add3A_645 = vector.broadcast %add3A_644 : f32 to vector<16xf32>
          %add3A_646 = arith.addf %get3A_643, %add3A_645 : vector<16xf32>
          %bitcast_convert_type3A_647 = tpu.bitcast %add3A_646 : vector<16xf32> -> vector<16xi32>
          %abs3A_648 = math.absf %get3A_643 : vector<16xf32>
          %xor3A_649 = arith.xori %xor3A_639, %bitcast_convert_type3A_647 : vector<16xi32>
          %min3A_650 = arith.minimumf %min3A_640, %abs3A_648 : vector<16xf32>
          %get3A_651 = arith.constant 896 : index
          %get3A_652 = tpu.vector_load %arg9[%get3A_651] {strides = array<i32>} : memref<1024xf32, #tpu.memory_space<vmem>>, vector<16xf32>,
          %get3A_653 = vector.shape_cast %get3A_652 : vector<16xf32> to vector<16xf32>
          %add3A_654 = arith.constant 9.99999996E-13 : f32
          %add3A_655 = vector.broadcast %add3A_654 : f32 to vector<16xf32>
          %add3A_656 = arith.addf %get3A_653, %add3A_655 : vector<16xf32>
          %bitcast_convert_type3A_657 = tpu.bitcast %add3A_656 : vector<16xf32> -> vector<16xi32>
          %abs3A_658 = math.absf %get3A_653 : vector<16xf32>
          %xor3A_659 = arith.xori %xor3A_649, %bitcast_convert_type3A_657 : vector<16xi32>
          %min3A_660 = arith.minimumf %min3A_650, %abs3A_658 : vector<16xf32>
          %get3A_661 = arith.constant 912 : index
          %get3A_662 = tpu.vector_load %arg9[%get3A_661] {strides = array<i32>} : memref<1024xf32, #tpu.memory_space<vmem>>, vector<16xf32>,
          %get3A_663 = vector.shape_cast %get3A_662 : vector<16xf32> to vector<16xf32>
          %add3A_664 = arith.constant 9.99999996E-13 : f32
          %add3A_665 = vector.broadcast %add3A_664 : f32 to vector<16xf32>
          %add3A_666 = arith.addf %get3A_663, %add3A_665 : vector<16xf32>
          %bitcast_convert_type3A_667 = tpu.bitcast %add3A_666 : vector<16xf32> -> vector<16xi32>
          %abs3A_668 = math.absf %get3A_663 : vector<16xf32>
          %xor3A_669 = arith.xori %xor3A_659, %bitcast_convert_type3A_667 : vector<16xi32>
          %min3A_670 = arith.minimumf %min3A_660, %abs3A_668 : vector<16xf32>
          %get3A_671 = arith.constant 928 : index
          %get3A_672 = tpu.vector_load %arg9[%get3A_671] {strides = array<i32>} : memref<1024xf32, #tpu.memory_space<vmem>>, vector<16xf32>,
          %get3A_673 = vector.shape_cast %get3A_672 : vector<16xf32> to vector<16xf32>
          %add3A_674 = arith.constant 9.99999996E-13 : f32
          %add3A_675 = vector.broadcast %add3A_674 : f32 to vector<16xf32>
          %add3A_676 = arith.addf %get3A_673, %add3A_675 : vector<16xf32>
          %bitcast_convert_type3A_677 = tpu.bitcast %add3A_676 : vector<16xf32> -> vector<16xi32>
          %abs3A_678 = math.absf %get3A_673 : vector<16xf32>
          %xor3A_679 = arith.xori %xor3A_669, %bitcast_convert_type3A_677 : vector<16xi32>
          %min3A_680 = arith.minimumf %min3A_670, %abs3A_678 : vector<16xf32>
          %get3A_681 = arith.constant 944 : index
          %get3A_682 = tpu.vector_load %arg9[%get3A_681] {strides = array<i32>} : memref<1024xf32, #tpu.memory_space<vmem>>, vector<16xf32>,
          %get3A_683 = vector.shape_cast %get3A_682 : vector<16xf32> to vector<16xf32>
          %add3A_684 = arith.constant 9.99999996E-13 : f32
          %add3A_685 = vector.broadcast %add3A_684 : f32 to vector<16xf32>
          %add3A_686 = arith.addf %get3A_683, %add3A_685 : vector<16xf32>
          %bitcast_convert_type3A_687 = tpu.bitcast %add3A_686 : vector<16xf32> -> vector<16xi32>
          %abs3A_688 = math.absf %get3A_683 : vector<16xf32>
          %xor3A_689 = arith.xori %xor3A_679, %bitcast_convert_type3A_687 : vector<16xi32>
          %min3A_690 = arith.minimumf %min3A_680, %abs3A_688 : vector<16xf32>
          %get3A_691 = arith.constant 960 : index
          %get3A_692 = tpu.vector_load %arg9[%get3A_691] {strides = array<i32>} : memref<1024xf32, #tpu.memory_space<vmem>>, vector<16xf32>,
          %get3A_693 = vector.shape_cast %get3A_692 : vector<16xf32> to vector<16xf32>
          %add3A_694 = arith.constant 9.99999996E-13 : f32
          %add3A_695 = vector.broadcast %add3A_694 : f32 to vector<16xf32>
          %add3A_696 = arith.addf %get3A_693, %add3A_695 : vector<16xf32>
          %bitcast_convert_type3A_697 = tpu.bitcast %add3A_696 : vector<16xf32> -> vector<16xi32>
          %abs3A_698 = math.absf %get3A_693 : vector<16xf32>
          %xor3A_699 = arith.xori %xor3A_689, %bitcast_convert_type3A_697 : vector<16xi32>
          %min3A_700 = arith.minimumf %min3A_690, %abs3A_698 : vector<16xf32>
          %get3A_701 = arith.constant 976 : index
          %get3A_702 = tpu.vector_load %arg9[%get3A_701] {strides = array<i32>} : memref<1024xf32, #tpu.memory_space<vmem>>, vector<16xf32>,
          %get3A_703 = vector.shape_cast %get3A_702 : vector<16xf32> to vector<16xf32>
          %add3A_704 = arith.constant 9.99999996E-13 : f32
          %add3A_705 = vector.broadcast %add3A_704 : f32 to vector<16xf32>
          %add3A_706 = arith.addf %get3A_703, %add3A_705 : vector<16xf32>
          %bitcast_convert_type3A_707 = tpu.bitcast %add3A_706 : vector<16xf32> -> vector<16xi32>
          %abs3A_708 = math.absf %get3A_703 : vector<16xf32>
          %xor3A_709 = arith.xori %xor3A_699, %bitcast_convert_type3A_707 : vector<16xi32>
          %min3A_710 = arith.minimumf %min3A_700, %abs3A_708 : vector<16xf32>
          %get3A_711 = arith.constant 992 : index
          %get3A_712 = tpu.vector_load %arg9[%get3A_711] {strides = array<i32>} : memref<1024xf32, #tpu.memory_space<vmem>>, vector<16xf32>,
          %get3A_713 = vector.shape_cast %get3A_712 : vector<16xf32> to vector<16xf32>
          %add3A_714 = arith.constant 9.99999996E-13 : f32
          %add3A_715 = vector.broadcast %add3A_714 : f32 to vector<16xf32>
          %add3A_716 = arith.addf %get3A_713, %add3A_715 : vector<16xf32>
          %bitcast_convert_type3A_717 = tpu.bitcast %add3A_716 : vector<16xf32> -> vector<16xi32>
          %abs3A_718 = math.absf %get3A_713 : vector<16xf32>
          %xor3A_719 = arith.xori %xor3A_709, %bitcast_convert_type3A_717 : vector<16xi32>
          %min3A_720 = arith.minimumf %min3A_710, %abs3A_718 : vector<16xf32>
          %get3A_721 = arith.constant 1008 : index
          %get3A_722 = tpu.vector_load %arg9[%get3A_721] {strides = array<i32>} : memref<1024xf32, #tpu.memory_space<vmem>>, vector<16xf32>,
          %get3A_723 = vector.shape_cast %get3A_722 : vector<16xf32> to vector<16xf32>
          %add3A_724 = arith.constant 9.99999996E-13 : f32
          %add3A_725 = vector.broadcast %add3A_724 : f32 to vector<16xf32>
          %add3A_726 = arith.addf %get3A_723, %add3A_725 : vector<16xf32>
          %bitcast_convert_type3A_727 = tpu.bitcast %add3A_726 : vector<16xf32> -> vector<16xi32>
          %abs3A_728 = math.absf %get3A_723 : vector<16xf32>
          %xor3A_729 = arith.xori %xor3A_719, %bitcast_convert_type3A_727 : vector<16xi32>
          %min3A_730 = arith.minimumf %min3A_720, %abs3A_728 : vector<16xf32>
          %and3A_731 = arith.andi %xor3A_729, %broadcast_in_dim3A_5 : vector<16xi32>
          %mul3A_732 = arith.mulf %get3A_4, %min3A_730 : vector<16xf32>
          %bitcast_convert_type3A_733 = tpu.bitcast %mul3A_732 : vector<16xf32> -> vector<16xi32>
          %xor3A_734 = arith.xori %bitcast_convert_type3A_733, %and3A_731 : vector<16xi32>
          %bitcast_convert_type3A_735 = tpu.bitcast %xor3A_734 : vector<16xi32> -> vector<16xf32>
          %mul3A_736 = arith.constant 3136 : i32
          %mul3A_737 = arith.muli %arg1, %mul3A_736 : i32
          %mul3A_738 = arith.constant 2 : i32
          %mul3A_739 = arith.muli %scan3A_43, %mul3A_738 : i32
          %add3A_740 = arith.constant 1 : i32
          %add3A_741 = arith.addi %mul3A_739, %add3A_740 : i32
          %mul3A_742 = arith.constant 16 : i32
          %mul3A_743 = arith.muli %add3A_741, %mul3A_742 : i32
          %add3A_744 = arith.addi %mul3A_737, %mul3A_743 : i32
          %add3A_745 = vector.broadcast %add3A_744 : i32 to vector<16xi32>
          %add3A_746 = arith.addi %add3A_745, %iota3A : vector<16xi32>
          %lt3A_747 = arith.constant 50000 : i32
          %lt3A_748 = vector.broadcast %lt3A_747 : i32 to vector<16xi32>
          %lt3A_749 = arith.cmpi slt, %add3A_746, %lt3A_748 : vector<16xi32>
          %jit3A_750 = arith.constant 0.000000e+00 : f32
          %broadcast_in_dim3A_751 = vector.broadcast %jit3A_750 : f32 to vector<16xf32>
          %select_n3A_752 = arith.select %lt3A_749, %bitcast_convert_type3A_735, %broadcast_in_dim3A_751 : vector<16xi1>, vector<16xf32>
          %mul3A_753 = arith.constant 2 : i32
          %mul3A_754 = arith.muli %scan3A_43, %mul3A_753 : i32
          %add3A_755 = arith.constant 1 : i32
          %add3A_756 = arith.addi %mul3A_754, %add3A_755 : i32
          %mul3A_757 = arith.constant 16 : i32
          %mul3A_758 = arith.muli %add3A_756, %mul3A_757 : i32
          %swap3A_759 = arith.index_cast %mul3A_758 : i32 to index
          %swap3A_760 = tpu.vector_load %arg14[%swap3A_759] {strides = array<i32>} : memref<3136xf32, #tpu.memory_space<vmem>>, vector<16xf32>,
          %swap3A_761 = vector.shape_cast %swap3A_760 : vector<16xf32> to vector<16xf32>
          %swap3A_762 = vector.shape_cast %select_n3A_752 : vector<16xf32> to vector<16xf32>
          tpu.vector_store %arg14[%swap3A_759], %swap3A_762 {strides = array<i32>} : memref<3136xf32, #tpu.memory_space<vmem>>, vector<16xf32>,
        }
        %scan3A_27 = arith.constant 98 : i32
        %barrier3A_28 = arith.constant 0 : index
        tpu.barrier barrier_id(%barrier3A_28)
        %scan3A_29 = arith.constant 0 : i32
        %scan3A_30 = arith.constant 0 : i32
        %scan3A_31 = arith.constant 23 : i32
        %scan3A_32 = arith.addi %scan3A_30, %scan3A_31 : i32
        %scan3A_33 = arith.constant 1 : i32
        scf.for %scan3A_43 = %scan3A_30 to %scan3A_32 step %scan3A_33  : i32 {
          %mul3A_44 = arith.constant 4352 : i32
          %mul3A_45 = arith.muli %scan3A_43, %mul3A_44 : i32
          %add3A = arith.addi %mul3A_2, %mul3A_45 : i32
          "tpu.region"() ({
            %run_scoped3A = tpu.sem_alloc : memref<!tpu.dma_semaphore, #tpu.memory_space<semaphore_mem>>
            %dma_start3A = tpu.memref_slice %arg16[%add3A] : memref<1601536xf32, #tpu.memory_space<vmem_shared>> -> memref<4352xf32, #tpu.memory_space<vmem_shared>>
            %dma_start3A_52 = tpu.memref_slice %arg16[%add3A] : memref<1601536xf32, #tpu.memory_space<vmem_shared>> -> memref<4352xf32, #tpu.memory_space<vmem_shared>>
            tpu.enqueue_dma source(%dma_start3A_52 : memref<4352xf32, #tpu.memory_space<vmem_shared>>) target(%arg11 : memref<4352xf32, #tpu.memory_space<vmem>>) target_semaphore(%run_scoped3A : memref<!tpu.dma_semaphore, #tpu.memory_space<semaphore_mem>>)
            %dma_wait3A = tpu.memref_slice %arg16[%add3A] : memref<1601536xf32, #tpu.memory_space<vmem_shared>> -> memref<4352xf32, #tpu.memory_space<vmem_shared>>
            %dma_wait3A_53 = tpu.memref_slice %arg16[%add3A] : memref<1601536xf32, #tpu.memory_space<vmem_shared>> -> memref<4352xf32, #tpu.memory_space<vmem_shared>>
            tpu.wait_dma2 semaphore(%run_scoped3A : memref<!tpu.dma_semaphore, #tpu.memory_space<semaphore_mem>>) src(%dma_wait3A_53 : memref<4352xf32, #tpu.memory_space<vmem_shared>>) dst(%arg11 : memref<4352xf32, #tpu.memory_space<vmem>>)
            tpu.yield
          }) : () -> ()
          "tpu.region"() ({
            %run_scoped3A = tpu.sem_alloc : memref<!tpu.dma_semaphore, #tpu.memory_space<semaphore_mem>>
            %dma_start3A = tpu.memref_slice %arg3[%add3A] : memref<1601536xf32, #tpu.memory_space<hbm>> -> memref<4352xf32, #tpu.memory_space<hbm>>
            %dma_start3A_52 = tpu.memref_slice %arg3[%add3A] : memref<1601536xf32, #tpu.memory_space<hbm>> -> memref<4352xf32, #tpu.memory_space<hbm>>
            tpu.enqueue_dma source(%dma_start3A_52 : memref<4352xf32, #tpu.memory_space<hbm>>) target(%arg12 : memref<4352xf32, #tpu.memory_space<vmem>>) target_semaphore(%run_scoped3A : memref<!tpu.dma_semaphore, #tpu.memory_space<semaphore_mem>>)
            %dma_wait3A = tpu.memref_slice %arg3[%add3A] : memref<1601536xf32, #tpu.memory_space<hbm>> -> memref<4352xf32, #tpu.memory_space<hbm>>
            %dma_wait3A_53 = tpu.memref_slice %arg3[%add3A] : memref<1601536xf32, #tpu.memory_space<hbm>> -> memref<4352xf32, #tpu.memory_space<hbm>>
            tpu.wait_dma2 semaphore(%run_scoped3A : memref<!tpu.dma_semaphore, #tpu.memory_space<semaphore_mem>>) src(%dma_wait3A_53 : memref<4352xf32, #tpu.memory_space<hbm>>) dst(%arg12 : memref<4352xf32, #tpu.memory_space<vmem>>)
            tpu.yield
          }) : () -> ()
          %scan3A_46 = arith.constant 0 : i32
          %scan3A_47 = arith.constant 0 : i32
          %scan3A_48 = arith.constant 272 : i32
          %scan3A_49 = arith.addi %scan3A_47, %scan3A_48 : i32
          %scan3A_50 = arith.constant 1 : i32
          scf.for %scan3A_52 = %scan3A_47 to %scan3A_49 step %scan3A_50  : i32 {
            %mul3A_53 = arith.constant 16 : i32
            %mul3A_54 = arith.muli %scan3A_52, %mul3A_53 : i32
            %get3A_55 = arith.index_cast %mul3A_54 : i32 to index
            %get3A_56 = tpu.vector_load %arg12[%get3A_55] {strides = array<i32>} : memref<4352xf32, #tpu.memory_space<vmem>>, vector<16xf32>,
            %get3A_57 = vector.shape_cast %get3A_56 : vector<16xf32> to vector<16xf32>
            %get3A_58 = arith.index_cast %mul3A_54 : i32 to index
            %get3A_59 = tpu.vector_load %arg11[%get3A_58] {strides = array<i32>} : memref<4352xf32, #tpu.memory_space<vmem>>, vector<16xf32>,
            %get3A_60 = vector.shape_cast %get3A_59 : vector<16xf32> to vector<16xf32>
            %sub3A = arith.subf %get3A_57, %get3A_60 : vector<16xf32>
            %swap3A = arith.index_cast %mul3A_54 : i32 to index
            %swap3A_61 = tpu.vector_load %arg11[%swap3A] {strides = array<i32>} : memref<4352xf32, #tpu.memory_space<vmem>>, vector<16xf32>,
            %swap3A_62 = vector.shape_cast %swap3A_61 : vector<16xf32> to vector<16xf32>
            %swap3A_63 = vector.shape_cast %sub3A : vector<16xf32> to vector<16xf32>
            tpu.vector_store %arg11[%swap3A], %swap3A_63 {strides = array<i32>} : memref<4352xf32, #tpu.memory_space<vmem>>, vector<16xf32>,
          }
          %scan3A_51 = arith.constant 272 : i32
          "tpu.region"() ({
            %run_scoped3A = tpu.sem_alloc : memref<!tpu.dma_semaphore, #tpu.memory_space<semaphore_mem>>
            %dma_start3A = tpu.memref_slice %arg16[%add3A] : memref<1601536xf32, #tpu.memory_space<vmem_shared>> -> memref<4352xf32, #tpu.memory_space<vmem_shared>>
            %dma_start3A_52 = tpu.memref_slice %arg16[%add3A] : memref<1601536xf32, #tpu.memory_space<vmem_shared>> -> memref<4352xf32, #tpu.memory_space<vmem_shared>>
            tpu.enqueue_dma source(%arg11 : memref<4352xf32, #tpu.memory_space<vmem>>) target(%dma_start3A_52 : memref<4352xf32, #tpu.memory_space<vmem_shared>>) target_semaphore(%run_scoped3A : memref<!tpu.dma_semaphore, #tpu.memory_space<semaphore_mem>>)
            %dma_wait3A = tpu.memref_slice %arg16[%add3A] : memref<1601536xf32, #tpu.memory_space<vmem_shared>> -> memref<4352xf32, #tpu.memory_space<vmem_shared>>
            %dma_wait3A_53 = tpu.memref_slice %arg16[%add3A] : memref<1601536xf32, #tpu.memory_space<vmem_shared>> -> memref<4352xf32, #tpu.memory_space<vmem_shared>>
            tpu.wait_dma2 semaphore(%run_scoped3A : memref<!tpu.dma_semaphore, #tpu.memory_space<semaphore_mem>>) src(%arg11 : memref<4352xf32, #tpu.memory_space<vmem>>) dst(%dma_wait3A_53 : memref<4352xf32, #tpu.memory_space<vmem_shared>>)
            tpu.yield
          }) : () -> ()
        }
        %scan3A_34 = arith.constant 23 : i32
        %barrier3A_35 = arith.constant 0 : index
        tpu.barrier barrier_id(%barrier3A_35)
        %scan3A_36 = arith.constant 0 : i32
        %scan3A_37 = arith.constant 0 : i32
        %scan3A_38 = arith.constant 98 : i32
        %scan3A_39 = arith.addi %scan3A_37, %scan3A_38 : i32
        %scan3A_40 = arith.constant 1 : i32
        scf.for %scan3A_43 = %scan3A_37 to %scan3A_39 step %scan3A_40  : i32 {
          %mul3A_44 = arith.constant 196 : i32
          %mul3A_45 = arith.muli %arg1, %mul3A_44 : i32
          %mul3A_46 = arith.constant 2 : i32
          %mul3A_47 = arith.muli %scan3A_43, %mul3A_46 : i32
          %add3A = arith.addi %mul3A_45, %mul3A_47 : i32
          %mul3A_48 = arith.constant 512 : i32
          %mul3A_49 = arith.muli %add3A, %mul3A_48 : i32
          "tpu.region"() ({
            %run_scoped3A = tpu.sem_alloc : memref<!tpu.dma_semaphore, #tpu.memory_space<semaphore_mem>>
            %dma_start3A_345 = tpu.memref_slice %arg2[%mul3A_49] : memref<1605632xi32, #tpu.memory_space<hbm>> -> memref<1024xi32, #tpu.memory_space<hbm>>
            %dma_start3A_346 = tpu.memref_slice %arg2[%mul3A_49] : memref<1605632xi32, #tpu.memory_space<hbm>> -> memref<1024xi32, #tpu.memory_space<hbm>>
            tpu.enqueue_dma source(%dma_start3A_346 : memref<1024xi32, #tpu.memory_space<hbm>>) target(%arg8 : memref<1024xi32, #tpu.memory_space<vmem>>) target_semaphore(%run_scoped3A : memref<!tpu.dma_semaphore, #tpu.memory_space<semaphore_mem>>)
            %dma_wait3A_347 = tpu.memref_slice %arg2[%mul3A_49] : memref<1605632xi32, #tpu.memory_space<hbm>> -> memref<1024xi32, #tpu.memory_space<hbm>>
            %dma_wait3A_348 = tpu.memref_slice %arg2[%mul3A_49] : memref<1605632xi32, #tpu.memory_space<hbm>> -> memref<1024xi32, #tpu.memory_space<hbm>>
            tpu.wait_dma2 semaphore(%run_scoped3A : memref<!tpu.dma_semaphore, #tpu.memory_space<semaphore_mem>>) src(%dma_wait3A_348 : memref<1024xi32, #tpu.memory_space<hbm>>) dst(%arg8 : memref<1024xi32, #tpu.memory_space<vmem>>)
            tpu.yield
          }) : () -> ()
          %mul3A_50 = arith.constant 2 : i32
          %mul3A_51 = arith.muli %scan3A_43, %mul3A_50 : i32
          %add3A_52 = arith.constant 0 : i32
          %add3A_53 = arith.addi %mul3A_51, %add3A_52 : i32
          %mul3A_54 = arith.constant 16 : i32
          %mul3A_55 = arith.muli %add3A_53, %mul3A_54 : i32
          %get3A_56 = arith.index_cast %mul3A_55 : i32 to index
          %get3A_57 = tpu.vector_load %arg14[%get3A_56] {strides = array<i32>} : memref<3136xf32, #tpu.memory_space<vmem>>, vector<16xf32>,
          %get3A_58 = vector.shape_cast %get3A_57 : vector<16xf32> to vector<16xf32>
          %swap3A = arith.constant 0 : index
          %swap3A_59 = tpu.vector_load %arg10[%swap3A] {strides = array<i32>} : memref<1024xf32, #tpu.memory_space<vmem>>, vector<16xf32>,
          %swap3A_60 = vector.shape_cast %swap3A_59 : vector<16xf32> to vector<16xf32>
          %swap3A_61 = vector.shape_cast %get3A_58 : vector<16xf32> to vector<16xf32>
          tpu.vector_store %arg10[%swap3A], %swap3A_61 {strides = array<i32>} : memref<1024xf32, #tpu.memory_space<vmem>>, vector<16xf32>,
          %swap3A_62 = arith.constant 16 : index
          %swap3A_63 = tpu.vector_load %arg10[%swap3A_62] {strides = array<i32>} : memref<1024xf32, #tpu.memory_space<vmem>>, vector<16xf32>,
          %swap3A_64 = vector.shape_cast %swap3A_63 : vector<16xf32> to vector<16xf32>
          %swap3A_65 = vector.shape_cast %get3A_58 : vector<16xf32> to vector<16xf32>
          tpu.vector_store %arg10[%swap3A_62], %swap3A_65 {strides = array<i32>} : memref<1024xf32, #tpu.memory_space<vmem>>, vector<16xf32>,
          %swap3A_66 = arith.constant 32 : index
          %swap3A_67 = tpu.vector_load %arg10[%swap3A_66] {strides = array<i32>} : memref<1024xf32, #tpu.memory_space<vmem>>, vector<16xf32>,
          %swap3A_68 = vector.shape_cast %swap3A_67 : vector<16xf32> to vector<16xf32>
          %swap3A_69 = vector.shape_cast %get3A_58 : vector<16xf32> to vector<16xf32>
          tpu.vector_store %arg10[%swap3A_66], %swap3A_69 {strides = array<i32>} : memref<1024xf32, #tpu.memory_space<vmem>>, vector<16xf32>,
          %swap3A_70 = arith.constant 48 : index
          %swap3A_71 = tpu.vector_load %arg10[%swap3A_70] {strides = array<i32>} : memref<1024xf32, #tpu.memory_space<vmem>>, vector<16xf32>,
          %swap3A_72 = vector.shape_cast %swap3A_71 : vector<16xf32> to vector<16xf32>
          %swap3A_73 = vector.shape_cast %get3A_58 : vector<16xf32> to vector<16xf32>
          tpu.vector_store %arg10[%swap3A_70], %swap3A_73 {strides = array<i32>} : memref<1024xf32, #tpu.memory_space<vmem>>, vector<16xf32>,
          %swap3A_74 = arith.constant 64 : index
          %swap3A_75 = tpu.vector_load %arg10[%swap3A_74] {strides = array<i32>} : memref<1024xf32, #tpu.memory_space<vmem>>, vector<16xf32>,
          %swap3A_76 = vector.shape_cast %swap3A_75 : vector<16xf32> to vector<16xf32>
          %swap3A_77 = vector.shape_cast %get3A_58 : vector<16xf32> to vector<16xf32>
          tpu.vector_store %arg10[%swap3A_74], %swap3A_77 {strides = array<i32>} : memref<1024xf32, #tpu.memory_space<vmem>>, vector<16xf32>,
          %swap3A_78 = arith.constant 80 : index
          %swap3A_79 = tpu.vector_load %arg10[%swap3A_78] {strides = array<i32>} : memref<1024xf32, #tpu.memory_space<vmem>>, vector<16xf32>,
          %swap3A_80 = vector.shape_cast %swap3A_79 : vector<16xf32> to vector<16xf32>
          %swap3A_81 = vector.shape_cast %get3A_58 : vector<16xf32> to vector<16xf32>
          tpu.vector_store %arg10[%swap3A_78], %swap3A_81 {strides = array<i32>} : memref<1024xf32, #tpu.memory_space<vmem>>, vector<16xf32>,
          %swap3A_82 = arith.constant 96 : index
          %swap3A_83 = tpu.vector_load %arg10[%swap3A_82] {strides = array<i32>} : memref<1024xf32, #tpu.memory_space<vmem>>, vector<16xf32>,
          %swap3A_84 = vector.shape_cast %swap3A_83 : vector<16xf32> to vector<16xf32>
          %swap3A_85 = vector.shape_cast %get3A_58 : vector<16xf32> to vector<16xf32>
          tpu.vector_store %arg10[%swap3A_82], %swap3A_85 {strides = array<i32>} : memref<1024xf32, #tpu.memory_space<vmem>>, vector<16xf32>,
          %swap3A_86 = arith.constant 112 : index
          %swap3A_87 = tpu.vector_load %arg10[%swap3A_86] {strides = array<i32>} : memref<1024xf32, #tpu.memory_space<vmem>>, vector<16xf32>,
          %swap3A_88 = vector.shape_cast %swap3A_87 : vector<16xf32> to vector<16xf32>
          %swap3A_89 = vector.shape_cast %get3A_58 : vector<16xf32> to vector<16xf32>
          tpu.vector_store %arg10[%swap3A_86], %swap3A_89 {strides = array<i32>} : memref<1024xf32, #tpu.memory_space<vmem>>, vector<16xf32>,
          %swap3A_90 = arith.constant 128 : index
          %swap3A_91 = tpu.vector_load %arg10[%swap3A_90] {strides = array<i32>} : memref<1024xf32, #tpu.memory_space<vmem>>, vector<16xf32>,
          %swap3A_92 = vector.shape_cast %swap3A_91 : vector<16xf32> to vector<16xf32>
          %swap3A_93 = vector.shape_cast %get3A_58 : vector<16xf32> to vector<16xf32>
          tpu.vector_store %arg10[%swap3A_90], %swap3A_93 {strides = array<i32>} : memref<1024xf32, #tpu.memory_space<vmem>>, vector<16xf32>,
          %swap3A_94 = arith.constant 144 : index
          %swap3A_95 = tpu.vector_load %arg10[%swap3A_94] {strides = array<i32>} : memref<1024xf32, #tpu.memory_space<vmem>>, vector<16xf32>,
          %swap3A_96 = vector.shape_cast %swap3A_95 : vector<16xf32> to vector<16xf32>
          %swap3A_97 = vector.shape_cast %get3A_58 : vector<16xf32> to vector<16xf32>
          tpu.vector_store %arg10[%swap3A_94], %swap3A_97 {strides = array<i32>} : memref<1024xf32, #tpu.memory_space<vmem>>, vector<16xf32>,
          %swap3A_98 = arith.constant 160 : index
          %swap3A_99 = tpu.vector_load %arg10[%swap3A_98] {strides = array<i32>} : memref<1024xf32, #tpu.memory_space<vmem>>, vector<16xf32>,
          %swap3A_100 = vector.shape_cast %swap3A_99 : vector<16xf32> to vector<16xf32>
          %swap3A_101 = vector.shape_cast %get3A_58 : vector<16xf32> to vector<16xf32>
          tpu.vector_store %arg10[%swap3A_98], %swap3A_101 {strides = array<i32>} : memref<1024xf32, #tpu.memory_space<vmem>>, vector<16xf32>,
          %swap3A_102 = arith.constant 176 : index
          %swap3A_103 = tpu.vector_load %arg10[%swap3A_102] {strides = array<i32>} : memref<1024xf32, #tpu.memory_space<vmem>>, vector<16xf32>,
          %swap3A_104 = vector.shape_cast %swap3A_103 : vector<16xf32> to vector<16xf32>
          %swap3A_105 = vector.shape_cast %get3A_58 : vector<16xf32> to vector<16xf32>
          tpu.vector_store %arg10[%swap3A_102], %swap3A_105 {strides = array<i32>} : memref<1024xf32, #tpu.memory_space<vmem>>, vector<16xf32>,
          %swap3A_106 = arith.constant 192 : index
          %swap3A_107 = tpu.vector_load %arg10[%swap3A_106] {strides = array<i32>} : memref<1024xf32, #tpu.memory_space<vmem>>, vector<16xf32>,
          %swap3A_108 = vector.shape_cast %swap3A_107 : vector<16xf32> to vector<16xf32>
          %swap3A_109 = vector.shape_cast %get3A_58 : vector<16xf32> to vector<16xf32>
          tpu.vector_store %arg10[%swap3A_106], %swap3A_109 {strides = array<i32>} : memref<1024xf32, #tpu.memory_space<vmem>>, vector<16xf32>,
          %swap3A_110 = arith.constant 208 : index
          %swap3A_111 = tpu.vector_load %arg10[%swap3A_110] {strides = array<i32>} : memref<1024xf32, #tpu.memory_space<vmem>>, vector<16xf32>,
          %swap3A_112 = vector.shape_cast %swap3A_111 : vector<16xf32> to vector<16xf32>
          %swap3A_113 = vector.shape_cast %get3A_58 : vector<16xf32> to vector<16xf32>
          tpu.vector_store %arg10[%swap3A_110], %swap3A_113 {strides = array<i32>} : memref<1024xf32, #tpu.memory_space<vmem>>, vector<16xf32>,
          %swap3A_114 = arith.constant 224 : index
          %swap3A_115 = tpu.vector_load %arg10[%swap3A_114] {strides = array<i32>} : memref<1024xf32, #tpu.memory_space<vmem>>, vector<16xf32>,
          %swap3A_116 = vector.shape_cast %swap3A_115 : vector<16xf32> to vector<16xf32>
          %swap3A_117 = vector.shape_cast %get3A_58 : vector<16xf32> to vector<16xf32>
          tpu.vector_store %arg10[%swap3A_114], %swap3A_117 {strides = array<i32>} : memref<1024xf32, #tpu.memory_space<vmem>>, vector<16xf32>,
          %swap3A_118 = arith.constant 240 : index
          %swap3A_119 = tpu.vector_load %arg10[%swap3A_118] {strides = array<i32>} : memref<1024xf32, #tpu.memory_space<vmem>>, vector<16xf32>,
          %swap3A_120 = vector.shape_cast %swap3A_119 : vector<16xf32> to vector<16xf32>
          %swap3A_121 = vector.shape_cast %get3A_58 : vector<16xf32> to vector<16xf32>
          tpu.vector_store %arg10[%swap3A_118], %swap3A_121 {strides = array<i32>} : memref<1024xf32, #tpu.memory_space<vmem>>, vector<16xf32>,
          %swap3A_122 = arith.constant 256 : index
          %swap3A_123 = tpu.vector_load %arg10[%swap3A_122] {strides = array<i32>} : memref<1024xf32, #tpu.memory_space<vmem>>, vector<16xf32>,
          %swap3A_124 = vector.shape_cast %swap3A_123 : vector<16xf32> to vector<16xf32>
          %swap3A_125 = vector.shape_cast %get3A_58 : vector<16xf32> to vector<16xf32>
          tpu.vector_store %arg10[%swap3A_122], %swap3A_125 {strides = array<i32>} : memref<1024xf32, #tpu.memory_space<vmem>>, vector<16xf32>,
          %swap3A_126 = arith.constant 272 : index
          %swap3A_127 = tpu.vector_load %arg10[%swap3A_126] {strides = array<i32>} : memref<1024xf32, #tpu.memory_space<vmem>>, vector<16xf32>,
          %swap3A_128 = vector.shape_cast %swap3A_127 : vector<16xf32> to vector<16xf32>
          %swap3A_129 = vector.shape_cast %get3A_58 : vector<16xf32> to vector<16xf32>
          tpu.vector_store %arg10[%swap3A_126], %swap3A_129 {strides = array<i32>} : memref<1024xf32, #tpu.memory_space<vmem>>, vector<16xf32>,
          %swap3A_130 = arith.constant 288 : index
          %swap3A_131 = tpu.vector_load %arg10[%swap3A_130] {strides = array<i32>} : memref<1024xf32, #tpu.memory_space<vmem>>, vector<16xf32>,
          %swap3A_132 = vector.shape_cast %swap3A_131 : vector<16xf32> to vector<16xf32>
          %swap3A_133 = vector.shape_cast %get3A_58 : vector<16xf32> to vector<16xf32>
          tpu.vector_store %arg10[%swap3A_130], %swap3A_133 {strides = array<i32>} : memref<1024xf32, #tpu.memory_space<vmem>>, vector<16xf32>,
          %swap3A_134 = arith.constant 304 : index
          %swap3A_135 = tpu.vector_load %arg10[%swap3A_134] {strides = array<i32>} : memref<1024xf32, #tpu.memory_space<vmem>>, vector<16xf32>,
          %swap3A_136 = vector.shape_cast %swap3A_135 : vector<16xf32> to vector<16xf32>
          %swap3A_137 = vector.shape_cast %get3A_58 : vector<16xf32> to vector<16xf32>
          tpu.vector_store %arg10[%swap3A_134], %swap3A_137 {strides = array<i32>} : memref<1024xf32, #tpu.memory_space<vmem>>, vector<16xf32>,
          %swap3A_138 = arith.constant 320 : index
          %swap3A_139 = tpu.vector_load %arg10[%swap3A_138] {strides = array<i32>} : memref<1024xf32, #tpu.memory_space<vmem>>, vector<16xf32>,
          %swap3A_140 = vector.shape_cast %swap3A_139 : vector<16xf32> to vector<16xf32>
          %swap3A_141 = vector.shape_cast %get3A_58 : vector<16xf32> to vector<16xf32>
          tpu.vector_store %arg10[%swap3A_138], %swap3A_141 {strides = array<i32>} : memref<1024xf32, #tpu.memory_space<vmem>>, vector<16xf32>,
          %swap3A_142 = arith.constant 336 : index
          %swap3A_143 = tpu.vector_load %arg10[%swap3A_142] {strides = array<i32>} : memref<1024xf32, #tpu.memory_space<vmem>>, vector<16xf32>,
          %swap3A_144 = vector.shape_cast %swap3A_143 : vector<16xf32> to vector<16xf32>
          %swap3A_145 = vector.shape_cast %get3A_58 : vector<16xf32> to vector<16xf32>
          tpu.vector_store %arg10[%swap3A_142], %swap3A_145 {strides = array<i32>} : memref<1024xf32, #tpu.memory_space<vmem>>, vector<16xf32>,
          %swap3A_146 = arith.constant 352 : index
          %swap3A_147 = tpu.vector_load %arg10[%swap3A_146] {strides = array<i32>} : memref<1024xf32, #tpu.memory_space<vmem>>, vector<16xf32>,
          %swap3A_148 = vector.shape_cast %swap3A_147 : vector<16xf32> to vector<16xf32>
          %swap3A_149 = vector.shape_cast %get3A_58 : vector<16xf32> to vector<16xf32>
          tpu.vector_store %arg10[%swap3A_146], %swap3A_149 {strides = array<i32>} : memref<1024xf32, #tpu.memory_space<vmem>>, vector<16xf32>,
          %swap3A_150 = arith.constant 368 : index
          %swap3A_151 = tpu.vector_load %arg10[%swap3A_150] {strides = array<i32>} : memref<1024xf32, #tpu.memory_space<vmem>>, vector<16xf32>,
          %swap3A_152 = vector.shape_cast %swap3A_151 : vector<16xf32> to vector<16xf32>
          %swap3A_153 = vector.shape_cast %get3A_58 : vector<16xf32> to vector<16xf32>
          tpu.vector_store %arg10[%swap3A_150], %swap3A_153 {strides = array<i32>} : memref<1024xf32, #tpu.memory_space<vmem>>, vector<16xf32>,
          %swap3A_154 = arith.constant 384 : index
          %swap3A_155 = tpu.vector_load %arg10[%swap3A_154] {strides = array<i32>} : memref<1024xf32, #tpu.memory_space<vmem>>, vector<16xf32>,
          %swap3A_156 = vector.shape_cast %swap3A_155 : vector<16xf32> to vector<16xf32>
          %swap3A_157 = vector.shape_cast %get3A_58 : vector<16xf32> to vector<16xf32>
          tpu.vector_store %arg10[%swap3A_154], %swap3A_157 {strides = array<i32>} : memref<1024xf32, #tpu.memory_space<vmem>>, vector<16xf32>,
          %swap3A_158 = arith.constant 400 : index
          %swap3A_159 = tpu.vector_load %arg10[%swap3A_158] {strides = array<i32>} : memref<1024xf32, #tpu.memory_space<vmem>>, vector<16xf32>,
          %swap3A_160 = vector.shape_cast %swap3A_159 : vector<16xf32> to vector<16xf32>
          %swap3A_161 = vector.shape_cast %get3A_58 : vector<16xf32> to vector<16xf32>
          tpu.vector_store %arg10[%swap3A_158], %swap3A_161 {strides = array<i32>} : memref<1024xf32, #tpu.memory_space<vmem>>, vector<16xf32>,
          %swap3A_162 = arith.constant 416 : index
          %swap3A_163 = tpu.vector_load %arg10[%swap3A_162] {strides = array<i32>} : memref<1024xf32, #tpu.memory_space<vmem>>, vector<16xf32>,
          %swap3A_164 = vector.shape_cast %swap3A_163 : vector<16xf32> to vector<16xf32>
          %swap3A_165 = vector.shape_cast %get3A_58 : vector<16xf32> to vector<16xf32>
          tpu.vector_store %arg10[%swap3A_162], %swap3A_165 {strides = array<i32>} : memref<1024xf32, #tpu.memory_space<vmem>>, vector<16xf32>,
          %swap3A_166 = arith.constant 432 : index
          %swap3A_167 = tpu.vector_load %arg10[%swap3A_166] {strides = array<i32>} : memref<1024xf32, #tpu.memory_space<vmem>>, vector<16xf32>,
          %swap3A_168 = vector.shape_cast %swap3A_167 : vector<16xf32> to vector<16xf32>
          %swap3A_169 = vector.shape_cast %get3A_58 : vector<16xf32> to vector<16xf32>
          tpu.vector_store %arg10[%swap3A_166], %swap3A_169 {strides = array<i32>} : memref<1024xf32, #tpu.memory_space<vmem>>, vector<16xf32>,
          %swap3A_170 = arith.constant 448 : index
          %swap3A_171 = tpu.vector_load %arg10[%swap3A_170] {strides = array<i32>} : memref<1024xf32, #tpu.memory_space<vmem>>, vector<16xf32>,
          %swap3A_172 = vector.shape_cast %swap3A_171 : vector<16xf32> to vector<16xf32>
          %swap3A_173 = vector.shape_cast %get3A_58 : vector<16xf32> to vector<16xf32>
          tpu.vector_store %arg10[%swap3A_170], %swap3A_173 {strides = array<i32>} : memref<1024xf32, #tpu.memory_space<vmem>>, vector<16xf32>,
          %swap3A_174 = arith.constant 464 : index
          %swap3A_175 = tpu.vector_load %arg10[%swap3A_174] {strides = array<i32>} : memref<1024xf32, #tpu.memory_space<vmem>>, vector<16xf32>,
          %swap3A_176 = vector.shape_cast %swap3A_175 : vector<16xf32> to vector<16xf32>
          %swap3A_177 = vector.shape_cast %get3A_58 : vector<16xf32> to vector<16xf32>
          tpu.vector_store %arg10[%swap3A_174], %swap3A_177 {strides = array<i32>} : memref<1024xf32, #tpu.memory_space<vmem>>, vector<16xf32>,
          %swap3A_178 = arith.constant 480 : index
          %swap3A_179 = tpu.vector_load %arg10[%swap3A_178] {strides = array<i32>} : memref<1024xf32, #tpu.memory_space<vmem>>, vector<16xf32>,
          %swap3A_180 = vector.shape_cast %swap3A_179 : vector<16xf32> to vector<16xf32>
          %swap3A_181 = vector.shape_cast %get3A_58 : vector<16xf32> to vector<16xf32>
          tpu.vector_store %arg10[%swap3A_178], %swap3A_181 {strides = array<i32>} : memref<1024xf32, #tpu.memory_space<vmem>>, vector<16xf32>,
          %swap3A_182 = arith.constant 496 : index
          %swap3A_183 = tpu.vector_load %arg10[%swap3A_182] {strides = array<i32>} : memref<1024xf32, #tpu.memory_space<vmem>>, vector<16xf32>,
          %swap3A_184 = vector.shape_cast %swap3A_183 : vector<16xf32> to vector<16xf32>
          %swap3A_185 = vector.shape_cast %get3A_58 : vector<16xf32> to vector<16xf32>
          tpu.vector_store %arg10[%swap3A_182], %swap3A_185 {strides = array<i32>} : memref<1024xf32, #tpu.memory_space<vmem>>, vector<16xf32>,
          %mul3A_186 = arith.constant 2 : i32
          %mul3A_187 = arith.muli %scan3A_43, %mul3A_186 : i32
          %add3A_188 = arith.constant 1 : i32
          %add3A_189 = arith.addi %mul3A_187, %add3A_188 : i32
          %mul3A_190 = arith.constant 16 : i32
          %mul3A_191 = arith.muli %add3A_189, %mul3A_190 : i32
          %get3A_192 = arith.index_cast %mul3A_191 : i32 to index
          %get3A_193 = tpu.vector_load %arg14[%get3A_192] {strides = array<i32>} : memref<3136xf32, #tpu.memory_space<vmem>>, vector<16xf32>,
          %get3A_194 = vector.shape_cast %get3A_193 : vector<16xf32> to vector<16xf32>
          %swap3A_195 = arith.constant 512 : index
          %swap3A_196 = tpu.vector_load %arg10[%swap3A_195] {strides = array<i32>} : memref<1024xf32, #tpu.memory_space<vmem>>, vector<16xf32>,
          %swap3A_197 = vector.shape_cast %swap3A_196 : vector<16xf32> to vector<16xf32>
          %swap3A_198 = vector.shape_cast %get3A_194 : vector<16xf32> to vector<16xf32>
          tpu.vector_store %arg10[%swap3A_195], %swap3A_198 {strides = array<i32>} : memref<1024xf32, #tpu.memory_space<vmem>>, vector<16xf32>,
          %swap3A_199 = arith.constant 528 : index
          %swap3A_200 = tpu.vector_load %arg10[%swap3A_199] {strides = array<i32>} : memref<1024xf32, #tpu.memory_space<vmem>>, vector<16xf32>,
          %swap3A_201 = vector.shape_cast %swap3A_200 : vector<16xf32> to vector<16xf32>
          %swap3A_202 = vector.shape_cast %get3A_194 : vector<16xf32> to vector<16xf32>
          tpu.vector_store %arg10[%swap3A_199], %swap3A_202 {strides = array<i32>} : memref<1024xf32, #tpu.memory_space<vmem>>, vector<16xf32>,
          %swap3A_203 = arith.constant 544 : index
          %swap3A_204 = tpu.vector_load %arg10[%swap3A_203] {strides = array<i32>} : memref<1024xf32, #tpu.memory_space<vmem>>, vector<16xf32>,
          %swap3A_205 = vector.shape_cast %swap3A_204 : vector<16xf32> to vector<16xf32>
          %swap3A_206 = vector.shape_cast %get3A_194 : vector<16xf32> to vector<16xf32>
          tpu.vector_store %arg10[%swap3A_203], %swap3A_206 {strides = array<i32>} : memref<1024xf32, #tpu.memory_space<vmem>>, vector<16xf32>,
          %swap3A_207 = arith.constant 560 : index
          %swap3A_208 = tpu.vector_load %arg10[%swap3A_207] {strides = array<i32>} : memref<1024xf32, #tpu.memory_space<vmem>>, vector<16xf32>,
          %swap3A_209 = vector.shape_cast %swap3A_208 : vector<16xf32> to vector<16xf32>
          %swap3A_210 = vector.shape_cast %get3A_194 : vector<16xf32> to vector<16xf32>
          tpu.vector_store %arg10[%swap3A_207], %swap3A_210 {strides = array<i32>} : memref<1024xf32, #tpu.memory_space<vmem>>, vector<16xf32>,
          %swap3A_211 = arith.constant 576 : index
          %swap3A_212 = tpu.vector_load %arg10[%swap3A_211] {strides = array<i32>} : memref<1024xf32, #tpu.memory_space<vmem>>, vector<16xf32>,
          %swap3A_213 = vector.shape_cast %swap3A_212 : vector<16xf32> to vector<16xf32>
          %swap3A_214 = vector.shape_cast %get3A_194 : vector<16xf32> to vector<16xf32>
          tpu.vector_store %arg10[%swap3A_211], %swap3A_214 {strides = array<i32>} : memref<1024xf32, #tpu.memory_space<vmem>>, vector<16xf32>,
          %swap3A_215 = arith.constant 592 : index
          %swap3A_216 = tpu.vector_load %arg10[%swap3A_215] {strides = array<i32>} : memref<1024xf32, #tpu.memory_space<vmem>>, vector<16xf32>,
          %swap3A_217 = vector.shape_cast %swap3A_216 : vector<16xf32> to vector<16xf32>
          %swap3A_218 = vector.shape_cast %get3A_194 : vector<16xf32> to vector<16xf32>
          tpu.vector_store %arg10[%swap3A_215], %swap3A_218 {strides = array<i32>} : memref<1024xf32, #tpu.memory_space<vmem>>, vector<16xf32>,
          %swap3A_219 = arith.constant 608 : index
          %swap3A_220 = tpu.vector_load %arg10[%swap3A_219] {strides = array<i32>} : memref<1024xf32, #tpu.memory_space<vmem>>, vector<16xf32>,
          %swap3A_221 = vector.shape_cast %swap3A_220 : vector<16xf32> to vector<16xf32>
          %swap3A_222 = vector.shape_cast %get3A_194 : vector<16xf32> to vector<16xf32>
          tpu.vector_store %arg10[%swap3A_219], %swap3A_222 {strides = array<i32>} : memref<1024xf32, #tpu.memory_space<vmem>>, vector<16xf32>,
          %swap3A_223 = arith.constant 624 : index
          %swap3A_224 = tpu.vector_load %arg10[%swap3A_223] {strides = array<i32>} : memref<1024xf32, #tpu.memory_space<vmem>>, vector<16xf32>,
          %swap3A_225 = vector.shape_cast %swap3A_224 : vector<16xf32> to vector<16xf32>
          %swap3A_226 = vector.shape_cast %get3A_194 : vector<16xf32> to vector<16xf32>
          tpu.vector_store %arg10[%swap3A_223], %swap3A_226 {strides = array<i32>} : memref<1024xf32, #tpu.memory_space<vmem>>, vector<16xf32>,
          %swap3A_227 = arith.constant 640 : index
          %swap3A_228 = tpu.vector_load %arg10[%swap3A_227] {strides = array<i32>} : memref<1024xf32, #tpu.memory_space<vmem>>, vector<16xf32>,
          %swap3A_229 = vector.shape_cast %swap3A_228 : vector<16xf32> to vector<16xf32>
          %swap3A_230 = vector.shape_cast %get3A_194 : vector<16xf32> to vector<16xf32>
          tpu.vector_store %arg10[%swap3A_227], %swap3A_230 {strides = array<i32>} : memref<1024xf32, #tpu.memory_space<vmem>>, vector<16xf32>,
          %swap3A_231 = arith.constant 656 : index
          %swap3A_232 = tpu.vector_load %arg10[%swap3A_231] {strides = array<i32>} : memref<1024xf32, #tpu.memory_space<vmem>>, vector<16xf32>,
          %swap3A_233 = vector.shape_cast %swap3A_232 : vector<16xf32> to vector<16xf32>
          %swap3A_234 = vector.shape_cast %get3A_194 : vector<16xf32> to vector<16xf32>
          tpu.vector_store %arg10[%swap3A_231], %swap3A_234 {strides = array<i32>} : memref<1024xf32, #tpu.memory_space<vmem>>, vector<16xf32>,
          %swap3A_235 = arith.constant 672 : index
          %swap3A_236 = tpu.vector_load %arg10[%swap3A_235] {strides = array<i32>} : memref<1024xf32, #tpu.memory_space<vmem>>, vector<16xf32>,
          %swap3A_237 = vector.shape_cast %swap3A_236 : vector<16xf32> to vector<16xf32>
          %swap3A_238 = vector.shape_cast %get3A_194 : vector<16xf32> to vector<16xf32>
          tpu.vector_store %arg10[%swap3A_235], %swap3A_238 {strides = array<i32>} : memref<1024xf32, #tpu.memory_space<vmem>>, vector<16xf32>,
          %swap3A_239 = arith.constant 688 : index
          %swap3A_240 = tpu.vector_load %arg10[%swap3A_239] {strides = array<i32>} : memref<1024xf32, #tpu.memory_space<vmem>>, vector<16xf32>,
          %swap3A_241 = vector.shape_cast %swap3A_240 : vector<16xf32> to vector<16xf32>
          %swap3A_242 = vector.shape_cast %get3A_194 : vector<16xf32> to vector<16xf32>
          tpu.vector_store %arg10[%swap3A_239], %swap3A_242 {strides = array<i32>} : memref<1024xf32, #tpu.memory_space<vmem>>, vector<16xf32>,
          %swap3A_243 = arith.constant 704 : index
          %swap3A_244 = tpu.vector_load %arg10[%swap3A_243] {strides = array<i32>} : memref<1024xf32, #tpu.memory_space<vmem>>, vector<16xf32>,
          %swap3A_245 = vector.shape_cast %swap3A_244 : vector<16xf32> to vector<16xf32>
          %swap3A_246 = vector.shape_cast %get3A_194 : vector<16xf32> to vector<16xf32>
          tpu.vector_store %arg10[%swap3A_243], %swap3A_246 {strides = array<i32>} : memref<1024xf32, #tpu.memory_space<vmem>>, vector<16xf32>,
          %swap3A_247 = arith.constant 720 : index
          %swap3A_248 = tpu.vector_load %arg10[%swap3A_247] {strides = array<i32>} : memref<1024xf32, #tpu.memory_space<vmem>>, vector<16xf32>,
          %swap3A_249 = vector.shape_cast %swap3A_248 : vector<16xf32> to vector<16xf32>
          %swap3A_250 = vector.shape_cast %get3A_194 : vector<16xf32> to vector<16xf32>
          tpu.vector_store %arg10[%swap3A_247], %swap3A_250 {strides = array<i32>} : memref<1024xf32, #tpu.memory_space<vmem>>, vector<16xf32>,
          %swap3A_251 = arith.constant 736 : index
          %swap3A_252 = tpu.vector_load %arg10[%swap3A_251] {strides = array<i32>} : memref<1024xf32, #tpu.memory_space<vmem>>, vector<16xf32>,
          %swap3A_253 = vector.shape_cast %swap3A_252 : vector<16xf32> to vector<16xf32>
          %swap3A_254 = vector.shape_cast %get3A_194 : vector<16xf32> to vector<16xf32>
          tpu.vector_store %arg10[%swap3A_251], %swap3A_254 {strides = array<i32>} : memref<1024xf32, #tpu.memory_space<vmem>>, vector<16xf32>,
          %swap3A_255 = arith.constant 752 : index
          %swap3A_256 = tpu.vector_load %arg10[%swap3A_255] {strides = array<i32>} : memref<1024xf32, #tpu.memory_space<vmem>>, vector<16xf32>,
          %swap3A_257 = vector.shape_cast %swap3A_256 : vector<16xf32> to vector<16xf32>
          %swap3A_258 = vector.shape_cast %get3A_194 : vector<16xf32> to vector<16xf32>
          tpu.vector_store %arg10[%swap3A_255], %swap3A_258 {strides = array<i32>} : memref<1024xf32, #tpu.memory_space<vmem>>, vector<16xf32>,
          %swap3A_259 = arith.constant 768 : index
          %swap3A_260 = tpu.vector_load %arg10[%swap3A_259] {strides = array<i32>} : memref<1024xf32, #tpu.memory_space<vmem>>, vector<16xf32>,
          %swap3A_261 = vector.shape_cast %swap3A_260 : vector<16xf32> to vector<16xf32>
          %swap3A_262 = vector.shape_cast %get3A_194 : vector<16xf32> to vector<16xf32>
          tpu.vector_store %arg10[%swap3A_259], %swap3A_262 {strides = array<i32>} : memref<1024xf32, #tpu.memory_space<vmem>>, vector<16xf32>,
          %swap3A_263 = arith.constant 784 : index
          %swap3A_264 = tpu.vector_load %arg10[%swap3A_263] {strides = array<i32>} : memref<1024xf32, #tpu.memory_space<vmem>>, vector<16xf32>,
          %swap3A_265 = vector.shape_cast %swap3A_264 : vector<16xf32> to vector<16xf32>
          %swap3A_266 = vector.shape_cast %get3A_194 : vector<16xf32> to vector<16xf32>
          tpu.vector_store %arg10[%swap3A_263], %swap3A_266 {strides = array<i32>} : memref<1024xf32, #tpu.memory_space<vmem>>, vector<16xf32>,
          %swap3A_267 = arith.constant 800 : index
          %swap3A_268 = tpu.vector_load %arg10[%swap3A_267] {strides = array<i32>} : memref<1024xf32, #tpu.memory_space<vmem>>, vector<16xf32>,
          %swap3A_269 = vector.shape_cast %swap3A_268 : vector<16xf32> to vector<16xf32>
          %swap3A_270 = vector.shape_cast %get3A_194 : vector<16xf32> to vector<16xf32>
          tpu.vector_store %arg10[%swap3A_267], %swap3A_270 {strides = array<i32>} : memref<1024xf32, #tpu.memory_space<vmem>>, vector<16xf32>,
          %swap3A_271 = arith.constant 816 : index
          %swap3A_272 = tpu.vector_load %arg10[%swap3A_271] {strides = array<i32>} : memref<1024xf32, #tpu.memory_space<vmem>>, vector<16xf32>,
          %swap3A_273 = vector.shape_cast %swap3A_272 : vector<16xf32> to vector<16xf32>
          %swap3A_274 = vector.shape_cast %get3A_194 : vector<16xf32> to vector<16xf32>
          tpu.vector_store %arg10[%swap3A_271], %swap3A_274 {strides = array<i32>} : memref<1024xf32, #tpu.memory_space<vmem>>, vector<16xf32>,
          %swap3A_275 = arith.constant 832 : index
          %swap3A_276 = tpu.vector_load %arg10[%swap3A_275] {strides = array<i32>} : memref<1024xf32, #tpu.memory_space<vmem>>, vector<16xf32>,
          %swap3A_277 = vector.shape_cast %swap3A_276 : vector<16xf32> to vector<16xf32>
          %swap3A_278 = vector.shape_cast %get3A_194 : vector<16xf32> to vector<16xf32>
          tpu.vector_store %arg10[%swap3A_275], %swap3A_278 {strides = array<i32>} : memref<1024xf32, #tpu.memory_space<vmem>>, vector<16xf32>,
          %swap3A_279 = arith.constant 848 : index
          %swap3A_280 = tpu.vector_load %arg10[%swap3A_279] {strides = array<i32>} : memref<1024xf32, #tpu.memory_space<vmem>>, vector<16xf32>,
          %swap3A_281 = vector.shape_cast %swap3A_280 : vector<16xf32> to vector<16xf32>
          %swap3A_282 = vector.shape_cast %get3A_194 : vector<16xf32> to vector<16xf32>
          tpu.vector_store %arg10[%swap3A_279], %swap3A_282 {strides = array<i32>} : memref<1024xf32, #tpu.memory_space<vmem>>, vector<16xf32>,
          %swap3A_283 = arith.constant 864 : index
          %swap3A_284 = tpu.vector_load %arg10[%swap3A_283] {strides = array<i32>} : memref<1024xf32, #tpu.memory_space<vmem>>, vector<16xf32>,
          %swap3A_285 = vector.shape_cast %swap3A_284 : vector<16xf32> to vector<16xf32>
          %swap3A_286 = vector.shape_cast %get3A_194 : vector<16xf32> to vector<16xf32>
          tpu.vector_store %arg10[%swap3A_283], %swap3A_286 {strides = array<i32>} : memref<1024xf32, #tpu.memory_space<vmem>>, vector<16xf32>,
          %swap3A_287 = arith.constant 880 : index
          %swap3A_288 = tpu.vector_load %arg10[%swap3A_287] {strides = array<i32>} : memref<1024xf32, #tpu.memory_space<vmem>>, vector<16xf32>,
          %swap3A_289 = vector.shape_cast %swap3A_288 : vector<16xf32> to vector<16xf32>
          %swap3A_290 = vector.shape_cast %get3A_194 : vector<16xf32> to vector<16xf32>
          tpu.vector_store %arg10[%swap3A_287], %swap3A_290 {strides = array<i32>} : memref<1024xf32, #tpu.memory_space<vmem>>, vector<16xf32>,
          %swap3A_291 = arith.constant 896 : index
          %swap3A_292 = tpu.vector_load %arg10[%swap3A_291] {strides = array<i32>} : memref<1024xf32, #tpu.memory_space<vmem>>, vector<16xf32>,
          %swap3A_293 = vector.shape_cast %swap3A_292 : vector<16xf32> to vector<16xf32>
          %swap3A_294 = vector.shape_cast %get3A_194 : vector<16xf32> to vector<16xf32>
          tpu.vector_store %arg10[%swap3A_291], %swap3A_294 {strides = array<i32>} : memref<1024xf32, #tpu.memory_space<vmem>>, vector<16xf32>,
          %swap3A_295 = arith.constant 912 : index
          %swap3A_296 = tpu.vector_load %arg10[%swap3A_295] {strides = array<i32>} : memref<1024xf32, #tpu.memory_space<vmem>>, vector<16xf32>,
          %swap3A_297 = vector.shape_cast %swap3A_296 : vector<16xf32> to vector<16xf32>
          %swap3A_298 = vector.shape_cast %get3A_194 : vector<16xf32> to vector<16xf32>
          tpu.vector_store %arg10[%swap3A_295], %swap3A_298 {strides = array<i32>} : memref<1024xf32, #tpu.memory_space<vmem>>, vector<16xf32>,
          %swap3A_299 = arith.constant 928 : index
          %swap3A_300 = tpu.vector_load %arg10[%swap3A_299] {strides = array<i32>} : memref<1024xf32, #tpu.memory_space<vmem>>, vector<16xf32>,
          %swap3A_301 = vector.shape_cast %swap3A_300 : vector<16xf32> to vector<16xf32>
          %swap3A_302 = vector.shape_cast %get3A_194 : vector<16xf32> to vector<16xf32>
          tpu.vector_store %arg10[%swap3A_299], %swap3A_302 {strides = array<i32>} : memref<1024xf32, #tpu.memory_space<vmem>>, vector<16xf32>,
          %swap3A_303 = arith.constant 944 : index
          %swap3A_304 = tpu.vector_load %arg10[%swap3A_303] {strides = array<i32>} : memref<1024xf32, #tpu.memory_space<vmem>>, vector<16xf32>,
          %swap3A_305 = vector.shape_cast %swap3A_304 : vector<16xf32> to vector<16xf32>
          %swap3A_306 = vector.shape_cast %get3A_194 : vector<16xf32> to vector<16xf32>
          tpu.vector_store %arg10[%swap3A_303], %swap3A_306 {strides = array<i32>} : memref<1024xf32, #tpu.memory_space<vmem>>, vector<16xf32>,
          %swap3A_307 = arith.constant 960 : index
          %swap3A_308 = tpu.vector_load %arg10[%swap3A_307] {strides = array<i32>} : memref<1024xf32, #tpu.memory_space<vmem>>, vector<16xf32>,
          %swap3A_309 = vector.shape_cast %swap3A_308 : vector<16xf32> to vector<16xf32>
          %swap3A_310 = vector.shape_cast %get3A_194 : vector<16xf32> to vector<16xf32>
          tpu.vector_store %arg10[%swap3A_307], %swap3A_310 {strides = array<i32>} : memref<1024xf32, #tpu.memory_space<vmem>>, vector<16xf32>,
          %swap3A_311 = arith.constant 976 : index
          %swap3A_312 = tpu.vector_load %arg10[%swap3A_311] {strides = array<i32>} : memref<1024xf32, #tpu.memory_space<vmem>>, vector<16xf32>,
          %swap3A_313 = vector.shape_cast %swap3A_312 : vector<16xf32> to vector<16xf32>
          %swap3A_314 = vector.shape_cast %get3A_194 : vector<16xf32> to vector<16xf32>
          tpu.vector_store %arg10[%swap3A_311], %swap3A_314 {strides = array<i32>} : memref<1024xf32, #tpu.memory_space<vmem>>, vector<16xf32>,
          %swap3A_315 = arith.constant 992 : index
          %swap3A_316 = tpu.vector_load %arg10[%swap3A_315] {strides = array<i32>} : memref<1024xf32, #tpu.memory_space<vmem>>, vector<16xf32>,
          %swap3A_317 = vector.shape_cast %swap3A_316 : vector<16xf32> to vector<16xf32>
          %swap3A_318 = vector.shape_cast %get3A_194 : vector<16xf32> to vector<16xf32>
          tpu.vector_store %arg10[%swap3A_315], %swap3A_318 {strides = array<i32>} : memref<1024xf32, #tpu.memory_space<vmem>>, vector<16xf32>,
          %swap3A_319 = arith.constant 1008 : index
          %swap3A_320 = tpu.vector_load %arg10[%swap3A_319] {strides = array<i32>} : memref<1024xf32, #tpu.memory_space<vmem>>, vector<16xf32>,
          %swap3A_321 = vector.shape_cast %swap3A_320 : vector<16xf32> to vector<16xf32>
          %swap3A_322 = vector.shape_cast %get3A_194 : vector<16xf32> to vector<16xf32>
          tpu.vector_store %arg10[%swap3A_319], %swap3A_322 {strides = array<i32>} : memref<1024xf32, #tpu.memory_space<vmem>>, vector<16xf32>,
          %dma_start3A = arith.constant 0 : i32
          %dma_start3A_323 = tpu.memref_slice %arg10[%dma_start3A] : memref<1024xf32, #tpu.memory_space<vmem>> -> memref<512xf32, #tpu.memory_space<vmem>>
          %dma_start3A_324 = arith.constant 0 : i32
          %dma_start3A_325 = tpu.memref_slice %arg8[%dma_start3A_324] : memref<1024xi32, #tpu.memory_space<vmem>> -> memref<512xi32, #tpu.memory_space<vmem>>
          %dma_start3A_326 = arith.constant 0 : i32
          %dma_start3A_327 = tpu.memref_slice %arg16[%dma_start3A_326] : memref<1601536xf32, #tpu.memory_space<vmem_shared>> -> memref<1601536xf32, #tpu.memory_space<vmem_shared>>
          tpu.enqueue_indirect_dma source(%dma_start3A_323 : memref<512xf32, #tpu.memory_space<vmem>>) target(%dma_start3A_327 : memref<1601536xf32, #tpu.memory_space<vmem_shared>>) offsets(%dma_start3A_325 : memref<512xi32, #tpu.memory_space<vmem>>) semaphore(%arg17 : memref<!tpu.dma_semaphore, #tpu.memory_space<semaphore_mem>>) {add = true}
          %dma_start3A_328 = arith.constant 512 : i32
          %dma_start3A_329 = tpu.memref_slice %arg10[%dma_start3A_328] : memref<1024xf32, #tpu.memory_space<vmem>> -> memref<512xf32, #tpu.memory_space<vmem>>
          %dma_start3A_330 = arith.constant 512 : i32
          %dma_start3A_331 = tpu.memref_slice %arg8[%dma_start3A_330] : memref<1024xi32, #tpu.memory_space<vmem>> -> memref<512xi32, #tpu.memory_space<vmem>>
          %dma_start3A_332 = arith.constant 0 : i32
          %dma_start3A_333 = tpu.memref_slice %arg16[%dma_start3A_332] : memref<1601536xf32, #tpu.memory_space<vmem_shared>> -> memref<1601536xf32, #tpu.memory_space<vmem_shared>>
          tpu.enqueue_indirect_dma source(%dma_start3A_329 : memref<512xf32, #tpu.memory_space<vmem>>) target(%dma_start3A_333 : memref<1601536xf32, #tpu.memory_space<vmem_shared>>) offsets(%dma_start3A_331 : memref<512xi32, #tpu.memory_space<vmem>>) semaphore(%arg17 : memref<!tpu.dma_semaphore, #tpu.memory_space<semaphore_mem>>) {add = true}
          %dma_wait3A = arith.constant 0 : i32
          %dma_wait3A_334 = tpu.memref_slice %arg10[%dma_wait3A] : memref<1024xf32, #tpu.memory_space<vmem>> -> memref<512xf32, #tpu.memory_space<vmem>>
          %dma_wait3A_335 = arith.constant 0 : i32
          %dma_wait3A_336 = tpu.memref_slice %arg8[%dma_wait3A_335] : memref<1024xi32, #tpu.memory_space<vmem>> -> memref<512xi32, #tpu.memory_space<vmem>>
          %dma_wait3A_337 = arith.constant 0 : i32
          %dma_wait3A_338 = tpu.memref_slice %arg16[%dma_wait3A_337] : memref<1601536xf32, #tpu.memory_space<vmem_shared>> -> memref<1601536xf32, #tpu.memory_space<vmem_shared>>
          tpu.wait_indirect_dma semaphore(%arg17 : memref<!tpu.dma_semaphore, #tpu.memory_space<semaphore_mem>>) src(%dma_wait3A_334 : memref<512xf32, #tpu.memory_space<vmem>>) dst(%dma_wait3A_338 : memref<1601536xf32, #tpu.memory_space<vmem_shared>>)
          %dma_wait3A_339 = arith.constant 512 : i32
          %dma_wait3A_340 = tpu.memref_slice %arg10[%dma_wait3A_339] : memref<1024xf32, #tpu.memory_space<vmem>> -> memref<512xf32, #tpu.memory_space<vmem>>
          %dma_wait3A_341 = arith.constant 512 : i32
          %dma_wait3A_342 = tpu.memref_slice %arg8[%dma_wait3A_341] : memref<1024xi32, #tpu.memory_space<vmem>> -> memref<512xi32, #tpu.memory_space<vmem>>
          %dma_wait3A_343 = arith.constant 0 : i32
          %dma_wait3A_344 = tpu.memref_slice %arg16[%dma_wait3A_343] : memref<1601536xf32, #tpu.memory_space<vmem_shared>> -> memref<1601536xf32, #tpu.memory_space<vmem_shared>>
          tpu.wait_indirect_dma semaphore(%arg17 : memref<!tpu.dma_semaphore, #tpu.memory_space<semaphore_mem>>) src(%dma_wait3A_340 : memref<512xf32, #tpu.memory_space<vmem>>) dst(%dma_wait3A_344 : memref<1601536xf32, #tpu.memory_space<vmem_shared>>)
        }
        %scan3A_41 = arith.constant 98 : i32
        %barrier3A_42 = arith.constant 0 : index
        tpu.barrier barrier_id(%barrier3A_42)
      }
      %scan3A_10 = arith.constant 4 : i32
      %mul3A_11 = arith.constant 6256 : i32
      %mul3A_12 = arith.muli %arg1, %mul3A_11 : i32
      "tpu.region"() ({
        %run_scoped3A = tpu.sem_alloc : memref<!tpu.dma_semaphore, #tpu.memory_space<semaphore_mem>>
        %dma_start3A = arith.constant 0 : i32
        %dma_start3A_21 = tpu.memref_slice %arg13[%dma_start3A] : memref<6272xf32, #tpu.memory_space<vmem>> -> memref<6256xf32, #tpu.memory_space<vmem>>
        %dma_start3A_22 = tpu.memref_slice %arg4[%mul3A_12] : memref<100096xf32, #tpu.memory_space<hbm>> -> memref<6256xf32, #tpu.memory_space<hbm>>
        %dma_start3A_23 = arith.constant 0 : i32
        %dma_start3A_24 = tpu.memref_slice %arg13[%dma_start3A_23] : memref<6272xf32, #tpu.memory_space<vmem>> -> memref<6256xf32, #tpu.memory_space<vmem>>
        %dma_start3A_25 = tpu.memref_slice %arg4[%mul3A_12] : memref<100096xf32, #tpu.memory_space<hbm>> -> memref<6256xf32, #tpu.memory_space<hbm>>
        tpu.enqueue_dma source(%dma_start3A_25 : memref<6256xf32, #tpu.memory_space<hbm>>) target(%dma_start3A_24 : memref<6256xf32, #tpu.memory_space<vmem>>) target_semaphore(%run_scoped3A : memref<!tpu.dma_semaphore, #tpu.memory_space<semaphore_mem>>)
        %dma_wait3A = arith.constant 0 : i32
        %dma_wait3A_26 = tpu.memref_slice %arg13[%dma_wait3A] : memref<6272xf32, #tpu.memory_space<vmem>> -> memref<6256xf32, #tpu.memory_space<vmem>>
        %dma_wait3A_27 = tpu.memref_slice %arg4[%mul3A_12] : memref<100096xf32, #tpu.memory_space<hbm>> -> memref<6256xf32, #tpu.memory_space<hbm>>
        %dma_wait3A_28 = arith.constant 0 : i32
        %dma_wait3A_29 = tpu.memref_slice %arg13[%dma_wait3A_28] : memref<6272xf32, #tpu.memory_space<vmem>> -> memref<6256xf32, #tpu.memory_space<vmem>>
        %dma_wait3A_30 = tpu.memref_slice %arg4[%mul3A_12] : memref<100096xf32, #tpu.memory_space<hbm>> -> memref<6256xf32, #tpu.memory_space<hbm>>
        tpu.wait_dma2 semaphore(%run_scoped3A : memref<!tpu.dma_semaphore, #tpu.memory_space<semaphore_mem>>) src(%dma_wait3A_30 : memref<6256xf32, #tpu.memory_space<hbm>>) dst(%dma_wait3A_29 : memref<6256xf32, #tpu.memory_space<vmem>>)
        tpu.yield
      }) : () -> ()
      %scan3A_13 = arith.constant 0 : i32
      %scan3A_14 = arith.constant 0 : i32
      %scan3A_15 = arith.constant 98 : i32
      %scan3A_16 = arith.addi %scan3A_14, %scan3A_15 : i32
      %scan3A_17 = arith.constant 1 : i32
      scf.for %scan3A_21 = %scan3A_14 to %scan3A_16 step %scan3A_17  : i32 {
        %mul3A_22 = arith.constant 196 : i32
        %mul3A_23 = arith.muli %arg1, %mul3A_22 : i32
        %mul3A_24 = arith.constant 2 : i32
        %mul3A_25 = arith.muli %scan3A_21, %mul3A_24 : i32
        %add3A = arith.addi %mul3A_23, %mul3A_25 : i32
        %mul3A_26 = arith.constant 512 : i32
        %mul3A_27 = arith.muli %add3A, %mul3A_26 : i32
        "tpu.region"() ({
          %run_scoped3A = tpu.sem_alloc : memref<!tpu.dma_semaphore, #tpu.memory_space<semaphore_mem>>
          %dma_start3A_373 = tpu.memref_slice %arg6[%mul3A_27] : memref<1605632xi32, #tpu.memory_space<hbm>> -> memref<1024xi32, #tpu.memory_space<hbm>>
          %dma_start3A_374 = tpu.memref_slice %arg6[%mul3A_27] : memref<1605632xi32, #tpu.memory_space<hbm>> -> memref<1024xi32, #tpu.memory_space<hbm>>
          tpu.enqueue_dma source(%dma_start3A_374 : memref<1024xi32, #tpu.memory_space<hbm>>) target(%arg8 : memref<1024xi32, #tpu.memory_space<vmem>>) target_semaphore(%run_scoped3A : memref<!tpu.dma_semaphore, #tpu.memory_space<semaphore_mem>>)
          %dma_wait3A_375 = tpu.memref_slice %arg6[%mul3A_27] : memref<1605632xi32, #tpu.memory_space<hbm>> -> memref<1024xi32, #tpu.memory_space<hbm>>
          %dma_wait3A_376 = tpu.memref_slice %arg6[%mul3A_27] : memref<1605632xi32, #tpu.memory_space<hbm>> -> memref<1024xi32, #tpu.memory_space<hbm>>
          tpu.wait_dma2 semaphore(%run_scoped3A : memref<!tpu.dma_semaphore, #tpu.memory_space<semaphore_mem>>) src(%dma_wait3A_376 : memref<1024xi32, #tpu.memory_space<hbm>>) dst(%arg8 : memref<1024xi32, #tpu.memory_space<vmem>>)
          tpu.yield
        }) : () -> ()
        %dma_start3A = arith.constant 0 : i32
        %dma_start3A_28 = tpu.memref_slice %arg9[%dma_start3A] : memref<1024xf32, #tpu.memory_space<vmem>> -> memref<512xf32, #tpu.memory_space<vmem>>
        %dma_start3A_29 = arith.constant 0 : i32
        %dma_start3A_30 = tpu.memref_slice %arg8[%dma_start3A_29] : memref<1024xi32, #tpu.memory_space<vmem>> -> memref<512xi32, #tpu.memory_space<vmem>>
        %dma_start3A_31 = arith.constant 0 : i32
        %dma_start3A_32 = tpu.memref_slice %arg16[%dma_start3A_31] : memref<1601536xf32, #tpu.memory_space<vmem_shared>> -> memref<1601536xf32, #tpu.memory_space<vmem_shared>>
        tpu.enqueue_indirect_dma source(%dma_start3A_32 : memref<1601536xf32, #tpu.memory_space<vmem_shared>>) target(%dma_start3A_28 : memref<512xf32, #tpu.memory_space<vmem>>) offsets(%dma_start3A_30 : memref<512xi32, #tpu.memory_space<vmem>>) semaphore(%arg17 : memref<!tpu.dma_semaphore, #tpu.memory_space<semaphore_mem>>)
        %dma_start3A_33 = arith.constant 512 : i32
        %dma_start3A_34 = tpu.memref_slice %arg9[%dma_start3A_33] : memref<1024xf32, #tpu.memory_space<vmem>> -> memref<512xf32, #tpu.memory_space<vmem>>
        %dma_start3A_35 = arith.constant 512 : i32
        %dma_start3A_36 = tpu.memref_slice %arg8[%dma_start3A_35] : memref<1024xi32, #tpu.memory_space<vmem>> -> memref<512xi32, #tpu.memory_space<vmem>>
        %dma_start3A_37 = arith.constant 0 : i32
        %dma_start3A_38 = tpu.memref_slice %arg16[%dma_start3A_37] : memref<1601536xf32, #tpu.memory_space<vmem_shared>> -> memref<1601536xf32, #tpu.memory_space<vmem_shared>>
        tpu.enqueue_indirect_dma source(%dma_start3A_38 : memref<1601536xf32, #tpu.memory_space<vmem_shared>>) target(%dma_start3A_34 : memref<512xf32, #tpu.memory_space<vmem>>) offsets(%dma_start3A_36 : memref<512xi32, #tpu.memory_space<vmem>>) semaphore(%arg17 : memref<!tpu.dma_semaphore, #tpu.memory_space<semaphore_mem>>)
        %dma_wait3A = arith.constant 0 : i32
        %dma_wait3A_39 = tpu.memref_slice %arg9[%dma_wait3A] : memref<1024xf32, #tpu.memory_space<vmem>> -> memref<512xf32, #tpu.memory_space<vmem>>
        %dma_wait3A_40 = arith.constant 0 : i32
        %dma_wait3A_41 = tpu.memref_slice %arg8[%dma_wait3A_40] : memref<1024xi32, #tpu.memory_space<vmem>> -> memref<512xi32, #tpu.memory_space<vmem>>
        %dma_wait3A_42 = arith.constant 0 : i32
        %dma_wait3A_43 = tpu.memref_slice %arg16[%dma_wait3A_42] : memref<1601536xf32, #tpu.memory_space<vmem_shared>> -> memref<1601536xf32, #tpu.memory_space<vmem_shared>>
        tpu.wait_indirect_dma semaphore(%arg17 : memref<!tpu.dma_semaphore, #tpu.memory_space<semaphore_mem>>) src(%dma_wait3A_43 : memref<1601536xf32, #tpu.memory_space<vmem_shared>>) dst(%dma_wait3A_39 : memref<512xf32, #tpu.memory_space<vmem>>)
        %dma_wait3A_44 = arith.constant 512 : i32
        %dma_wait3A_45 = tpu.memref_slice %arg9[%dma_wait3A_44] : memref<1024xf32, #tpu.memory_space<vmem>> -> memref<512xf32, #tpu.memory_space<vmem>>
        %dma_wait3A_46 = arith.constant 512 : i32
        %dma_wait3A_47 = tpu.memref_slice %arg8[%dma_wait3A_46] : memref<1024xi32, #tpu.memory_space<vmem>> -> memref<512xi32, #tpu.memory_space<vmem>>
        %dma_wait3A_48 = arith.constant 0 : i32
        %dma_wait3A_49 = tpu.memref_slice %arg16[%dma_wait3A_48] : memref<1601536xf32, #tpu.memory_space<vmem_shared>> -> memref<1601536xf32, #tpu.memory_space<vmem_shared>>
        tpu.wait_indirect_dma semaphore(%arg17 : memref<!tpu.dma_semaphore, #tpu.memory_space<semaphore_mem>>) src(%dma_wait3A_49 : memref<1601536xf32, #tpu.memory_space<vmem_shared>>) dst(%dma_wait3A_45 : memref<512xf32, #tpu.memory_space<vmem>>)
        %get3A_50 = arith.constant 0 : index
        %get3A_51 = tpu.vector_load %arg9[%get3A_50] {strides = array<i32>} : memref<1024xf32, #tpu.memory_space<vmem>>, vector<16xf32>,
        %get3A_52 = vector.shape_cast %get3A_51 : vector<16xf32> to vector<16xf32>
        %get3A_53 = arith.constant 16 : index
        %get3A_54 = tpu.vector_load %arg9[%get3A_53] {strides = array<i32>} : memref<1024xf32, #tpu.memory_space<vmem>>, vector<16xf32>,
        %get3A_55 = vector.shape_cast %get3A_54 : vector<16xf32> to vector<16xf32>
        %add3A_56 = arith.addf %get3A_52, %get3A_55 : vector<16xf32>
        %get3A_57 = arith.constant 32 : index
        %get3A_58 = tpu.vector_load %arg9[%get3A_57] {strides = array<i32>} : memref<1024xf32, #tpu.memory_space<vmem>>, vector<16xf32>,
        %get3A_59 = vector.shape_cast %get3A_58 : vector<16xf32> to vector<16xf32>
        %add3A_60 = arith.addf %add3A_56, %get3A_59 : vector<16xf32>
        %get3A_61 = arith.constant 48 : index
        %get3A_62 = tpu.vector_load %arg9[%get3A_61] {strides = array<i32>} : memref<1024xf32, #tpu.memory_space<vmem>>, vector<16xf32>,
        %get3A_63 = vector.shape_cast %get3A_62 : vector<16xf32> to vector<16xf32>
        %add3A_64 = arith.addf %add3A_60, %get3A_63 : vector<16xf32>
        %get3A_65 = arith.constant 64 : index
        %get3A_66 = tpu.vector_load %arg9[%get3A_65] {strides = array<i32>} : memref<1024xf32, #tpu.memory_space<vmem>>, vector<16xf32>,
        %get3A_67 = vector.shape_cast %get3A_66 : vector<16xf32> to vector<16xf32>
        %add3A_68 = arith.addf %add3A_64, %get3A_67 : vector<16xf32>
        %get3A_69 = arith.constant 80 : index
        %get3A_70 = tpu.vector_load %arg9[%get3A_69] {strides = array<i32>} : memref<1024xf32, #tpu.memory_space<vmem>>, vector<16xf32>,
        %get3A_71 = vector.shape_cast %get3A_70 : vector<16xf32> to vector<16xf32>
        %add3A_72 = arith.addf %add3A_68, %get3A_71 : vector<16xf32>
        %get3A_73 = arith.constant 96 : index
        %get3A_74 = tpu.vector_load %arg9[%get3A_73] {strides = array<i32>} : memref<1024xf32, #tpu.memory_space<vmem>>, vector<16xf32>,
        %get3A_75 = vector.shape_cast %get3A_74 : vector<16xf32> to vector<16xf32>
        %add3A_76 = arith.addf %add3A_72, %get3A_75 : vector<16xf32>
        %get3A_77 = arith.constant 112 : index
        %get3A_78 = tpu.vector_load %arg9[%get3A_77] {strides = array<i32>} : memref<1024xf32, #tpu.memory_space<vmem>>, vector<16xf32>,
        %get3A_79 = vector.shape_cast %get3A_78 : vector<16xf32> to vector<16xf32>
        %add3A_80 = arith.addf %add3A_76, %get3A_79 : vector<16xf32>
        %get3A_81 = arith.constant 128 : index
        %get3A_82 = tpu.vector_load %arg9[%get3A_81] {strides = array<i32>} : memref<1024xf32, #tpu.memory_space<vmem>>, vector<16xf32>,
        %get3A_83 = vector.shape_cast %get3A_82 : vector<16xf32> to vector<16xf32>
        %add3A_84 = arith.addf %add3A_80, %get3A_83 : vector<16xf32>
        %get3A_85 = arith.constant 144 : index
        %get3A_86 = tpu.vector_load %arg9[%get3A_85] {strides = array<i32>} : memref<1024xf32, #tpu.memory_space<vmem>>, vector<16xf32>,
        %get3A_87 = vector.shape_cast %get3A_86 : vector<16xf32> to vector<16xf32>
        %add3A_88 = arith.addf %add3A_84, %get3A_87 : vector<16xf32>
        %get3A_89 = arith.constant 160 : index
        %get3A_90 = tpu.vector_load %arg9[%get3A_89] {strides = array<i32>} : memref<1024xf32, #tpu.memory_space<vmem>>, vector<16xf32>,
        %get3A_91 = vector.shape_cast %get3A_90 : vector<16xf32> to vector<16xf32>
        %add3A_92 = arith.addf %add3A_88, %get3A_91 : vector<16xf32>
        %get3A_93 = arith.constant 176 : index
        %get3A_94 = tpu.vector_load %arg9[%get3A_93] {strides = array<i32>} : memref<1024xf32, #tpu.memory_space<vmem>>, vector<16xf32>,
        %get3A_95 = vector.shape_cast %get3A_94 : vector<16xf32> to vector<16xf32>
        %add3A_96 = arith.addf %add3A_92, %get3A_95 : vector<16xf32>
        %get3A_97 = arith.constant 192 : index
        %get3A_98 = tpu.vector_load %arg9[%get3A_97] {strides = array<i32>} : memref<1024xf32, #tpu.memory_space<vmem>>, vector<16xf32>,
        %get3A_99 = vector.shape_cast %get3A_98 : vector<16xf32> to vector<16xf32>
        %add3A_100 = arith.addf %add3A_96, %get3A_99 : vector<16xf32>
        %get3A_101 = arith.constant 208 : index
        %get3A_102 = tpu.vector_load %arg9[%get3A_101] {strides = array<i32>} : memref<1024xf32, #tpu.memory_space<vmem>>, vector<16xf32>,
        %get3A_103 = vector.shape_cast %get3A_102 : vector<16xf32> to vector<16xf32>
        %add3A_104 = arith.addf %add3A_100, %get3A_103 : vector<16xf32>
        %get3A_105 = arith.constant 224 : index
        %get3A_106 = tpu.vector_load %arg9[%get3A_105] {strides = array<i32>} : memref<1024xf32, #tpu.memory_space<vmem>>, vector<16xf32>,
        %get3A_107 = vector.shape_cast %get3A_106 : vector<16xf32> to vector<16xf32>
        %add3A_108 = arith.addf %add3A_104, %get3A_107 : vector<16xf32>
        %get3A_109 = arith.constant 240 : index
        %get3A_110 = tpu.vector_load %arg9[%get3A_109] {strides = array<i32>} : memref<1024xf32, #tpu.memory_space<vmem>>, vector<16xf32>,
        %get3A_111 = vector.shape_cast %get3A_110 : vector<16xf32> to vector<16xf32>
        %add3A_112 = arith.addf %add3A_108, %get3A_111 : vector<16xf32>
        %mul3A_113 = arith.constant 2 : i32
        %mul3A_114 = arith.muli %scan3A_21, %mul3A_113 : i32
        %add3A_115 = arith.constant 0 : i32
        %add3A_116 = arith.addi %mul3A_114, %add3A_115 : i32
        %mul3A_117 = arith.constant 2 : i32
        %mul3A_118 = arith.muli %add3A_116, %mul3A_117 : i32
        %add3A_119 = arith.constant 0 : i32
        %add3A_120 = arith.addi %mul3A_118, %add3A_119 : i32
        %mul3A_121 = arith.constant 16 : i32
        %mul3A_122 = arith.muli %add3A_120, %mul3A_121 : i32
        %get3A_123 = arith.index_cast %mul3A_122 : i32 to index
        %get3A_124 = tpu.vector_load %arg13[%get3A_123] {strides = array<i32>} : memref<6272xf32, #tpu.memory_space<vmem>>, vector<16xf32>,
        %get3A_125 = vector.shape_cast %get3A_124 : vector<16xf32> to vector<16xf32>
        %add3A_126 = arith.addf %get3A_125, %add3A_112 : vector<16xf32>
        %swap3A = arith.index_cast %mul3A_122 : i32 to index
        %swap3A_127 = tpu.vector_load %arg13[%swap3A] {strides = array<i32>} : memref<6272xf32, #tpu.memory_space<vmem>>, vector<16xf32>,
        %swap3A_128 = vector.shape_cast %swap3A_127 : vector<16xf32> to vector<16xf32>
        %swap3A_129 = vector.shape_cast %add3A_126 : vector<16xf32> to vector<16xf32>
        tpu.vector_store %arg13[%swap3A], %swap3A_129 {strides = array<i32>} : memref<6272xf32, #tpu.memory_space<vmem>>, vector<16xf32>,
        %get3A_130 = arith.constant 256 : index
        %get3A_131 = tpu.vector_load %arg9[%get3A_130] {strides = array<i32>} : memref<1024xf32, #tpu.memory_space<vmem>>, vector<16xf32>,
        %get3A_132 = vector.shape_cast %get3A_131 : vector<16xf32> to vector<16xf32>
        %get3A_133 = arith.constant 272 : index
        %get3A_134 = tpu.vector_load %arg9[%get3A_133] {strides = array<i32>} : memref<1024xf32, #tpu.memory_space<vmem>>, vector<16xf32>,
        %get3A_135 = vector.shape_cast %get3A_134 : vector<16xf32> to vector<16xf32>
        %add3A_136 = arith.addf %get3A_132, %get3A_135 : vector<16xf32>
        %get3A_137 = arith.constant 288 : index
        %get3A_138 = tpu.vector_load %arg9[%get3A_137] {strides = array<i32>} : memref<1024xf32, #tpu.memory_space<vmem>>, vector<16xf32>,
        %get3A_139 = vector.shape_cast %get3A_138 : vector<16xf32> to vector<16xf32>
        %add3A_140 = arith.addf %add3A_136, %get3A_139 : vector<16xf32>
        %get3A_141 = arith.constant 304 : index
        %get3A_142 = tpu.vector_load %arg9[%get3A_141] {strides = array<i32>} : memref<1024xf32, #tpu.memory_space<vmem>>, vector<16xf32>,
        %get3A_143 = vector.shape_cast %get3A_142 : vector<16xf32> to vector<16xf32>
        %add3A_144 = arith.addf %add3A_140, %get3A_143 : vector<16xf32>
        %get3A_145 = arith.constant 320 : index
        %get3A_146 = tpu.vector_load %arg9[%get3A_145] {strides = array<i32>} : memref<1024xf32, #tpu.memory_space<vmem>>, vector<16xf32>,
        %get3A_147 = vector.shape_cast %get3A_146 : vector<16xf32> to vector<16xf32>
        %add3A_148 = arith.addf %add3A_144, %get3A_147 : vector<16xf32>
        %get3A_149 = arith.constant 336 : index
        %get3A_150 = tpu.vector_load %arg9[%get3A_149] {strides = array<i32>} : memref<1024xf32, #tpu.memory_space<vmem>>, vector<16xf32>,
        %get3A_151 = vector.shape_cast %get3A_150 : vector<16xf32> to vector<16xf32>
        %add3A_152 = arith.addf %add3A_148, %get3A_151 : vector<16xf32>
        %get3A_153 = arith.constant 352 : index
        %get3A_154 = tpu.vector_load %arg9[%get3A_153] {strides = array<i32>} : memref<1024xf32, #tpu.memory_space<vmem>>, vector<16xf32>,
        %get3A_155 = vector.shape_cast %get3A_154 : vector<16xf32> to vector<16xf32>
        %add3A_156 = arith.addf %add3A_152, %get3A_155 : vector<16xf32>
        %get3A_157 = arith.constant 368 : index
        %get3A_158 = tpu.vector_load %arg9[%get3A_157] {strides = array<i32>} : memref<1024xf32, #tpu.memory_space<vmem>>, vector<16xf32>,
        %get3A_159 = vector.shape_cast %get3A_158 : vector<16xf32> to vector<16xf32>
        %add3A_160 = arith.addf %add3A_156, %get3A_159 : vector<16xf32>
        %get3A_161 = arith.constant 384 : index
        %get3A_162 = tpu.vector_load %arg9[%get3A_161] {strides = array<i32>} : memref<1024xf32, #tpu.memory_space<vmem>>, vector<16xf32>,
        %get3A_163 = vector.shape_cast %get3A_162 : vector<16xf32> to vector<16xf32>
        %add3A_164 = arith.addf %add3A_160, %get3A_163 : vector<16xf32>
        %get3A_165 = arith.constant 400 : index
        %get3A_166 = tpu.vector_load %arg9[%get3A_165] {strides = array<i32>} : memref<1024xf32, #tpu.memory_space<vmem>>, vector<16xf32>,
        %get3A_167 = vector.shape_cast %get3A_166 : vector<16xf32> to vector<16xf32>
        %add3A_168 = arith.addf %add3A_164, %get3A_167 : vector<16xf32>
        %get3A_169 = arith.constant 416 : index
        %get3A_170 = tpu.vector_load %arg9[%get3A_169] {strides = array<i32>} : memref<1024xf32, #tpu.memory_space<vmem>>, vector<16xf32>,
        %get3A_171 = vector.shape_cast %get3A_170 : vector<16xf32> to vector<16xf32>
        %add3A_172 = arith.addf %add3A_168, %get3A_171 : vector<16xf32>
        %get3A_173 = arith.constant 432 : index
        %get3A_174 = tpu.vector_load %arg9[%get3A_173] {strides = array<i32>} : memref<1024xf32, #tpu.memory_space<vmem>>, vector<16xf32>,
        %get3A_175 = vector.shape_cast %get3A_174 : vector<16xf32> to vector<16xf32>
        %add3A_176 = arith.addf %add3A_172, %get3A_175 : vector<16xf32>
        %get3A_177 = arith.constant 448 : index
        %get3A_178 = tpu.vector_load %arg9[%get3A_177] {strides = array<i32>} : memref<1024xf32, #tpu.memory_space<vmem>>, vector<16xf32>,
        %get3A_179 = vector.shape_cast %get3A_178 : vector<16xf32> to vector<16xf32>
        %add3A_180 = arith.addf %add3A_176, %get3A_179 : vector<16xf32>
        %get3A_181 = arith.constant 464 : index
        %get3A_182 = tpu.vector_load %arg9[%get3A_181] {strides = array<i32>} : memref<1024xf32, #tpu.memory_space<vmem>>, vector<16xf32>,
        %get3A_183 = vector.shape_cast %get3A_182 : vector<16xf32> to vector<16xf32>
        %add3A_184 = arith.addf %add3A_180, %get3A_183 : vector<16xf32>
        %get3A_185 = arith.constant 480 : index
        %get3A_186 = tpu.vector_load %arg9[%get3A_185] {strides = array<i32>} : memref<1024xf32, #tpu.memory_space<vmem>>, vector<16xf32>,
        %get3A_187 = vector.shape_cast %get3A_186 : vector<16xf32> to vector<16xf32>
        %add3A_188 = arith.addf %add3A_184, %get3A_187 : vector<16xf32>
        %get3A_189 = arith.constant 496 : index
        %get3A_190 = tpu.vector_load %arg9[%get3A_189] {strides = array<i32>} : memref<1024xf32, #tpu.memory_space<vmem>>, vector<16xf32>,
        %get3A_191 = vector.shape_cast %get3A_190 : vector<16xf32> to vector<16xf32>
        %add3A_192 = arith.addf %add3A_188, %get3A_191 : vector<16xf32>
        %mul3A_193 = arith.constant 2 : i32
        %mul3A_194 = arith.muli %scan3A_21, %mul3A_193 : i32
        %add3A_195 = arith.constant 0 : i32
        %add3A_196 = arith.addi %mul3A_194, %add3A_195 : i32
        %mul3A_197 = arith.constant 2 : i32
        %mul3A_198 = arith.muli %add3A_196, %mul3A_197 : i32
        %add3A_199 = arith.constant 1 : i32
        %add3A_200 = arith.addi %mul3A_198, %add3A_199 : i32
        %mul3A_201 = arith.constant 16 : i32
        %mul3A_202 = arith.muli %add3A_200, %mul3A_201 : i32
        %get3A_203 = arith.index_cast %mul3A_202 : i32 to index
        %get3A_204 = tpu.vector_load %arg13[%get3A_203] {strides = array<i32>} : memref<6272xf32, #tpu.memory_space<vmem>>, vector<16xf32>,
        %get3A_205 = vector.shape_cast %get3A_204 : vector<16xf32> to vector<16xf32>
        %add3A_206 = arith.addf %get3A_205, %add3A_192 : vector<16xf32>
        %swap3A_207 = arith.index_cast %mul3A_202 : i32 to index
        %swap3A_208 = tpu.vector_load %arg13[%swap3A_207] {strides = array<i32>} : memref<6272xf32, #tpu.memory_space<vmem>>, vector<16xf32>,
        %swap3A_209 = vector.shape_cast %swap3A_208 : vector<16xf32> to vector<16xf32>
        %swap3A_210 = vector.shape_cast %add3A_206 : vector<16xf32> to vector<16xf32>
        tpu.vector_store %arg13[%swap3A_207], %swap3A_210 {strides = array<i32>} : memref<6272xf32, #tpu.memory_space<vmem>>, vector<16xf32>,
        %get3A_211 = arith.constant 512 : index
        %get3A_212 = tpu.vector_load %arg9[%get3A_211] {strides = array<i32>} : memref<1024xf32, #tpu.memory_space<vmem>>, vector<16xf32>,
        %get3A_213 = vector.shape_cast %get3A_212 : vector<16xf32> to vector<16xf32>
        %get3A_214 = arith.constant 528 : index
        %get3A_215 = tpu.vector_load %arg9[%get3A_214] {strides = array<i32>} : memref<1024xf32, #tpu.memory_space<vmem>>, vector<16xf32>,
        %get3A_216 = vector.shape_cast %get3A_215 : vector<16xf32> to vector<16xf32>
        %add3A_217 = arith.addf %get3A_213, %get3A_216 : vector<16xf32>
        %get3A_218 = arith.constant 544 : index
        %get3A_219 = tpu.vector_load %arg9[%get3A_218] {strides = array<i32>} : memref<1024xf32, #tpu.memory_space<vmem>>, vector<16xf32>,
        %get3A_220 = vector.shape_cast %get3A_219 : vector<16xf32> to vector<16xf32>
        %add3A_221 = arith.addf %add3A_217, %get3A_220 : vector<16xf32>
        %get3A_222 = arith.constant 560 : index
        %get3A_223 = tpu.vector_load %arg9[%get3A_222] {strides = array<i32>} : memref<1024xf32, #tpu.memory_space<vmem>>, vector<16xf32>,
        %get3A_224 = vector.shape_cast %get3A_223 : vector<16xf32> to vector<16xf32>
        %add3A_225 = arith.addf %add3A_221, %get3A_224 : vector<16xf32>
        %get3A_226 = arith.constant 576 : index
        %get3A_227 = tpu.vector_load %arg9[%get3A_226] {strides = array<i32>} : memref<1024xf32, #tpu.memory_space<vmem>>, vector<16xf32>,
        %get3A_228 = vector.shape_cast %get3A_227 : vector<16xf32> to vector<16xf32>
        %add3A_229 = arith.addf %add3A_225, %get3A_228 : vector<16xf32>
        %get3A_230 = arith.constant 592 : index
        %get3A_231 = tpu.vector_load %arg9[%get3A_230] {strides = array<i32>} : memref<1024xf32, #tpu.memory_space<vmem>>, vector<16xf32>,
        %get3A_232 = vector.shape_cast %get3A_231 : vector<16xf32> to vector<16xf32>
        %add3A_233 = arith.addf %add3A_229, %get3A_232 : vector<16xf32>
        %get3A_234 = arith.constant 608 : index
        %get3A_235 = tpu.vector_load %arg9[%get3A_234] {strides = array<i32>} : memref<1024xf32, #tpu.memory_space<vmem>>, vector<16xf32>,
        %get3A_236 = vector.shape_cast %get3A_235 : vector<16xf32> to vector<16xf32>
        %add3A_237 = arith.addf %add3A_233, %get3A_236 : vector<16xf32>
        %get3A_238 = arith.constant 624 : index
        %get3A_239 = tpu.vector_load %arg9[%get3A_238] {strides = array<i32>} : memref<1024xf32, #tpu.memory_space<vmem>>, vector<16xf32>,
        %get3A_240 = vector.shape_cast %get3A_239 : vector<16xf32> to vector<16xf32>
        %add3A_241 = arith.addf %add3A_237, %get3A_240 : vector<16xf32>
        %get3A_242 = arith.constant 640 : index
        %get3A_243 = tpu.vector_load %arg9[%get3A_242] {strides = array<i32>} : memref<1024xf32, #tpu.memory_space<vmem>>, vector<16xf32>,
        %get3A_244 = vector.shape_cast %get3A_243 : vector<16xf32> to vector<16xf32>
        %add3A_245 = arith.addf %add3A_241, %get3A_244 : vector<16xf32>
        %get3A_246 = arith.constant 656 : index
        %get3A_247 = tpu.vector_load %arg9[%get3A_246] {strides = array<i32>} : memref<1024xf32, #tpu.memory_space<vmem>>, vector<16xf32>,
        %get3A_248 = vector.shape_cast %get3A_247 : vector<16xf32> to vector<16xf32>
        %add3A_249 = arith.addf %add3A_245, %get3A_248 : vector<16xf32>
        %get3A_250 = arith.constant 672 : index
        %get3A_251 = tpu.vector_load %arg9[%get3A_250] {strides = array<i32>} : memref<1024xf32, #tpu.memory_space<vmem>>, vector<16xf32>,
        %get3A_252 = vector.shape_cast %get3A_251 : vector<16xf32> to vector<16xf32>
        %add3A_253 = arith.addf %add3A_249, %get3A_252 : vector<16xf32>
        %get3A_254 = arith.constant 688 : index
        %get3A_255 = tpu.vector_load %arg9[%get3A_254] {strides = array<i32>} : memref<1024xf32, #tpu.memory_space<vmem>>, vector<16xf32>,
        %get3A_256 = vector.shape_cast %get3A_255 : vector<16xf32> to vector<16xf32>
        %add3A_257 = arith.addf %add3A_253, %get3A_256 : vector<16xf32>
        %get3A_258 = arith.constant 704 : index
        %get3A_259 = tpu.vector_load %arg9[%get3A_258] {strides = array<i32>} : memref<1024xf32, #tpu.memory_space<vmem>>, vector<16xf32>,
        %get3A_260 = vector.shape_cast %get3A_259 : vector<16xf32> to vector<16xf32>
        %add3A_261 = arith.addf %add3A_257, %get3A_260 : vector<16xf32>
        %get3A_262 = arith.constant 720 : index
        %get3A_263 = tpu.vector_load %arg9[%get3A_262] {strides = array<i32>} : memref<1024xf32, #tpu.memory_space<vmem>>, vector<16xf32>,
        %get3A_264 = vector.shape_cast %get3A_263 : vector<16xf32> to vector<16xf32>
        %add3A_265 = arith.addf %add3A_261, %get3A_264 : vector<16xf32>
        %get3A_266 = arith.constant 736 : index
        %get3A_267 = tpu.vector_load %arg9[%get3A_266] {strides = array<i32>} : memref<1024xf32, #tpu.memory_space<vmem>>, vector<16xf32>,
        %get3A_268 = vector.shape_cast %get3A_267 : vector<16xf32> to vector<16xf32>
        %add3A_269 = arith.addf %add3A_265, %get3A_268 : vector<16xf32>
        %get3A_270 = arith.constant 752 : index
        %get3A_271 = tpu.vector_load %arg9[%get3A_270] {strides = array<i32>} : memref<1024xf32, #tpu.memory_space<vmem>>, vector<16xf32>,
        %get3A_272 = vector.shape_cast %get3A_271 : vector<16xf32> to vector<16xf32>
        %add3A_273 = arith.addf %add3A_269, %get3A_272 : vector<16xf32>
        %mul3A_274 = arith.constant 2 : i32
        %mul3A_275 = arith.muli %scan3A_21, %mul3A_274 : i32
        %add3A_276 = arith.constant 1 : i32
        %add3A_277 = arith.addi %mul3A_275, %add3A_276 : i32
        %mul3A_278 = arith.constant 2 : i32
        %mul3A_279 = arith.muli %add3A_277, %mul3A_278 : i32
        %add3A_280 = arith.constant 0 : i32
        %add3A_281 = arith.addi %mul3A_279, %add3A_280 : i32
        %mul3A_282 = arith.constant 16 : i32
        %mul3A_283 = arith.muli %add3A_281, %mul3A_282 : i32
        %get3A_284 = arith.index_cast %mul3A_283 : i32 to index
        %get3A_285 = tpu.vector_load %arg13[%get3A_284] {strides = array<i32>} : memref<6272xf32, #tpu.memory_space<vmem>>, vector<16xf32>,
        %get3A_286 = vector.shape_cast %get3A_285 : vector<16xf32> to vector<16xf32>
        %add3A_287 = arith.addf %get3A_286, %add3A_273 : vector<16xf32>
        %swap3A_288 = arith.index_cast %mul3A_283 : i32 to index
        %swap3A_289 = tpu.vector_load %arg13[%swap3A_288] {strides = array<i32>} : memref<6272xf32, #tpu.memory_space<vmem>>, vector<16xf32>,
        %swap3A_290 = vector.shape_cast %swap3A_289 : vector<16xf32> to vector<16xf32>
        %swap3A_291 = vector.shape_cast %add3A_287 : vector<16xf32> to vector<16xf32>
        tpu.vector_store %arg13[%swap3A_288], %swap3A_291 {strides = array<i32>} : memref<6272xf32, #tpu.memory_space<vmem>>, vector<16xf32>,
        %get3A_292 = arith.constant 768 : index
        %get3A_293 = tpu.vector_load %arg9[%get3A_292] {strides = array<i32>} : memref<1024xf32, #tpu.memory_space<vmem>>, vector<16xf32>,
        %get3A_294 = vector.shape_cast %get3A_293 : vector<16xf32> to vector<16xf32>
        %get3A_295 = arith.constant 784 : index
        %get3A_296 = tpu.vector_load %arg9[%get3A_295] {strides = array<i32>} : memref<1024xf32, #tpu.memory_space<vmem>>, vector<16xf32>,
        %get3A_297 = vector.shape_cast %get3A_296 : vector<16xf32> to vector<16xf32>
        %add3A_298 = arith.addf %get3A_294, %get3A_297 : vector<16xf32>
        %get3A_299 = arith.constant 800 : index
        %get3A_300 = tpu.vector_load %arg9[%get3A_299] {strides = array<i32>} : memref<1024xf32, #tpu.memory_space<vmem>>, vector<16xf32>,
        %get3A_301 = vector.shape_cast %get3A_300 : vector<16xf32> to vector<16xf32>
        %add3A_302 = arith.addf %add3A_298, %get3A_301 : vector<16xf32>
        %get3A_303 = arith.constant 816 : index
        %get3A_304 = tpu.vector_load %arg9[%get3A_303] {strides = array<i32>} : memref<1024xf32, #tpu.memory_space<vmem>>, vector<16xf32>,
        %get3A_305 = vector.shape_cast %get3A_304 : vector<16xf32> to vector<16xf32>
        %add3A_306 = arith.addf %add3A_302, %get3A_305 : vector<16xf32>
        %get3A_307 = arith.constant 832 : index
        %get3A_308 = tpu.vector_load %arg9[%get3A_307] {strides = array<i32>} : memref<1024xf32, #tpu.memory_space<vmem>>, vector<16xf32>,
        %get3A_309 = vector.shape_cast %get3A_308 : vector<16xf32> to vector<16xf32>
        %add3A_310 = arith.addf %add3A_306, %get3A_309 : vector<16xf32>
        %get3A_311 = arith.constant 848 : index
        %get3A_312 = tpu.vector_load %arg9[%get3A_311] {strides = array<i32>} : memref<1024xf32, #tpu.memory_space<vmem>>, vector<16xf32>,
        %get3A_313 = vector.shape_cast %get3A_312 : vector<16xf32> to vector<16xf32>
        %add3A_314 = arith.addf %add3A_310, %get3A_313 : vector<16xf32>
        %get3A_315 = arith.constant 864 : index
        %get3A_316 = tpu.vector_load %arg9[%get3A_315] {strides = array<i32>} : memref<1024xf32, #tpu.memory_space<vmem>>, vector<16xf32>,
        %get3A_317 = vector.shape_cast %get3A_316 : vector<16xf32> to vector<16xf32>
        %add3A_318 = arith.addf %add3A_314, %get3A_317 : vector<16xf32>
        %get3A_319 = arith.constant 880 : index
        %get3A_320 = tpu.vector_load %arg9[%get3A_319] {strides = array<i32>} : memref<1024xf32, #tpu.memory_space<vmem>>, vector<16xf32>,
        %get3A_321 = vector.shape_cast %get3A_320 : vector<16xf32> to vector<16xf32>
        %add3A_322 = arith.addf %add3A_318, %get3A_321 : vector<16xf32>
        %get3A_323 = arith.constant 896 : index
        %get3A_324 = tpu.vector_load %arg9[%get3A_323] {strides = array<i32>} : memref<1024xf32, #tpu.memory_space<vmem>>, vector<16xf32>,
        %get3A_325 = vector.shape_cast %get3A_324 : vector<16xf32> to vector<16xf32>
        %add3A_326 = arith.addf %add3A_322, %get3A_325 : vector<16xf32>
        %get3A_327 = arith.constant 912 : index
        %get3A_328 = tpu.vector_load %arg9[%get3A_327] {strides = array<i32>} : memref<1024xf32, #tpu.memory_space<vmem>>, vector<16xf32>,
        %get3A_329 = vector.shape_cast %get3A_328 : vector<16xf32> to vector<16xf32>
        %add3A_330 = arith.addf %add3A_326, %get3A_329 : vector<16xf32>
        %get3A_331 = arith.constant 928 : index
        %get3A_332 = tpu.vector_load %arg9[%get3A_331] {strides = array<i32>} : memref<1024xf32, #tpu.memory_space<vmem>>, vector<16xf32>,
        %get3A_333 = vector.shape_cast %get3A_332 : vector<16xf32> to vector<16xf32>
        %add3A_334 = arith.addf %add3A_330, %get3A_333 : vector<16xf32>
        %get3A_335 = arith.constant 944 : index
        %get3A_336 = tpu.vector_load %arg9[%get3A_335] {strides = array<i32>} : memref<1024xf32, #tpu.memory_space<vmem>>, vector<16xf32>,
        %get3A_337 = vector.shape_cast %get3A_336 : vector<16xf32> to vector<16xf32>
        %add3A_338 = arith.addf %add3A_334, %get3A_337 : vector<16xf32>
        %get3A_339 = arith.constant 960 : index
        %get3A_340 = tpu.vector_load %arg9[%get3A_339] {strides = array<i32>} : memref<1024xf32, #tpu.memory_space<vmem>>, vector<16xf32>,
        %get3A_341 = vector.shape_cast %get3A_340 : vector<16xf32> to vector<16xf32>
        %add3A_342 = arith.addf %add3A_338, %get3A_341 : vector<16xf32>
        %get3A_343 = arith.constant 976 : index
        %get3A_344 = tpu.vector_load %arg9[%get3A_343] {strides = array<i32>} : memref<1024xf32, #tpu.memory_space<vmem>>, vector<16xf32>,
        %get3A_345 = vector.shape_cast %get3A_344 : vector<16xf32> to vector<16xf32>
        %add3A_346 = arith.addf %add3A_342, %get3A_345 : vector<16xf32>
        %get3A_347 = arith.constant 992 : index
        %get3A_348 = tpu.vector_load %arg9[%get3A_347] {strides = array<i32>} : memref<1024xf32, #tpu.memory_space<vmem>>, vector<16xf32>,
        %get3A_349 = vector.shape_cast %get3A_348 : vector<16xf32> to vector<16xf32>
        %add3A_350 = arith.addf %add3A_346, %get3A_349 : vector<16xf32>
        %get3A_351 = arith.constant 1008 : index
        %get3A_352 = tpu.vector_load %arg9[%get3A_351] {strides = array<i32>} : memref<1024xf32, #tpu.memory_space<vmem>>, vector<16xf32>,
        %get3A_353 = vector.shape_cast %get3A_352 : vector<16xf32> to vector<16xf32>
        %add3A_354 = arith.addf %add3A_350, %get3A_353 : vector<16xf32>
        %mul3A_355 = arith.constant 2 : i32
        %mul3A_356 = arith.muli %scan3A_21, %mul3A_355 : i32
        %add3A_357 = arith.constant 1 : i32
        %add3A_358 = arith.addi %mul3A_356, %add3A_357 : i32
        %mul3A_359 = arith.constant 2 : i32
        %mul3A_360 = arith.muli %add3A_358, %mul3A_359 : i32
        %add3A_361 = arith.constant 1 : i32
        %add3A_362 = arith.addi %mul3A_360, %add3A_361 : i32
        %mul3A_363 = arith.constant 16 : i32
        %mul3A_364 = arith.muli %add3A_362, %mul3A_363 : i32
        %get3A_365 = arith.index_cast %mul3A_364 : i32 to index
        %get3A_366 = tpu.vector_load %arg13[%get3A_365] {strides = array<i32>} : memref<6272xf32, #tpu.memory_space<vmem>>, vector<16xf32>,
        %get3A_367 = vector.shape_cast %get3A_366 : vector<16xf32> to vector<16xf32>
        %add3A_368 = arith.addf %get3A_367, %add3A_354 : vector<16xf32>
        %swap3A_369 = arith.index_cast %mul3A_364 : i32 to index
        %swap3A_370 = tpu.vector_load %arg13[%swap3A_369] {strides = array<i32>} : memref<6272xf32, #tpu.memory_space<vmem>>, vector<16xf32>,
        %swap3A_371 = vector.shape_cast %swap3A_370 : vector<16xf32> to vector<16xf32>
        %swap3A_372 = vector.shape_cast %add3A_368 : vector<16xf32> to vector<16xf32>
        tpu.vector_store %arg13[%swap3A_369], %swap3A_372 {strides = array<i32>} : memref<6272xf32, #tpu.memory_space<vmem>>, vector<16xf32>,
      }
      %scan3A_18 = arith.constant 98 : i32
      %mul3A_19 = arith.constant 6256 : i32
      %mul3A_20 = arith.muli %arg1, %mul3A_19 : i32
      "tpu.region"() ({
        %run_scoped3A = tpu.sem_alloc : memref<!tpu.dma_semaphore, #tpu.memory_space<semaphore_mem>>
        %dma_start3A = arith.constant 0 : i32
        %dma_start3A_21 = tpu.memref_slice %arg13[%dma_start3A] : memref<6272xf32, #tpu.memory_space<vmem>> -> memref<6256xf32, #tpu.memory_space<vmem>>
        %dma_start3A_22 = tpu.memref_slice %arg7[%mul3A_20] : memref<100096xf32, #tpu.memory_space<hbm>> -> memref<6256xf32, #tpu.memory_space<hbm>>
        %dma_start3A_23 = tpu.memref_slice %arg7[%mul3A_20] : memref<100096xf32, #tpu.memory_space<hbm>> -> memref<6256xf32, #tpu.memory_space<hbm>>
        %dma_start3A_24 = arith.constant 0 : i32
        %dma_start3A_25 = tpu.memref_slice %arg13[%dma_start3A_24] : memref<6272xf32, #tpu.memory_space<vmem>> -> memref<6256xf32, #tpu.memory_space<vmem>>
        tpu.enqueue_dma source(%dma_start3A_25 : memref<6256xf32, #tpu.memory_space<vmem>>) target(%dma_start3A_23 : memref<6256xf32, #tpu.memory_space<hbm>>) target_semaphore(%run_scoped3A : memref<!tpu.dma_semaphore, #tpu.memory_space<semaphore_mem>>)
        %dma_wait3A = arith.constant 0 : i32
        %dma_wait3A_26 = tpu.memref_slice %arg13[%dma_wait3A] : memref<6272xf32, #tpu.memory_space<vmem>> -> memref<6256xf32, #tpu.memory_space<vmem>>
        %dma_wait3A_27 = tpu.memref_slice %arg7[%mul3A_20] : memref<100096xf32, #tpu.memory_space<hbm>> -> memref<6256xf32, #tpu.memory_space<hbm>>
        %dma_wait3A_28 = tpu.memref_slice %arg7[%mul3A_20] : memref<100096xf32, #tpu.memory_space<hbm>> -> memref<6256xf32, #tpu.memory_space<hbm>>
        %dma_wait3A_29 = arith.constant 0 : i32
        %dma_wait3A_30 = tpu.memref_slice %arg13[%dma_wait3A_29] : memref<6272xf32, #tpu.memory_space<vmem>> -> memref<6256xf32, #tpu.memory_space<vmem>>
        tpu.wait_dma2 semaphore(%run_scoped3A : memref<!tpu.dma_semaphore, #tpu.memory_space<semaphore_mem>>) src(%dma_wait3A_30 : memref<6256xf32, #tpu.memory_space<vmem>>) dst(%dma_wait3A_28 : memref<6256xf32, #tpu.memory_space<hbm>>)
        tpu.yield
      }) : () -> ()
    } else {
    }
    return
  }
}

</mosaic_0001>

<sc_bundles>
// kernel: kernel.3.cloned.1.call-start
scs
__scs_entry_jumppad:
0x0: {  	(pc) =	sbr.rel $0x88, $3  }
0x1: {  	(tag) =	ssettag $0x0;
	lr =	simm.s32 $0x1  }
0x2: {  	[smem:$0x3F9E] =	sst lr;
	_ =	strace $0xD0000000  }
0x3: {  	_ = 	snop  }
0x4: {  	_ = 	snop  }
0x5: {  	_ = 	snop  }
0x6: {  	_ = 	snop  }
0x7: {  	_ = 	snop  }
__scs_overlays_trampoline_lowered:
0x8: {  	[smem:$0x3FAD] =	sst s0  }
0x9: {  	[smem:$0x3FAE] =	sst s1  }
0xa: {  	[smem:$0x3FAF] =	sst s2  }
0xb: {  	[smem:$0x3FB0] =	sst s3  }
0xc: {  	[smem:$0x3FB1] =	sst s4  }
0xd: {  	[smem:$0x3FB2] =	sst s5  }
0xe: {  	[smem:$0x3FB3] =	sst s6  }
0xf: {  	[smem:$0x3FB4] =	sst s7  }
0x10: {  	[smem:$0x3FB5] =	sst s8  }
0x11: {  	[smem:$0x3FB6] =	sst s9;
	s0 =	simm.s32 @!p0 $0x0  }
0x12: {  	s1 =	sld [smem:$0x3F9C];
	s0 =	simm.s32 @p0 $0x1  }
0x13: {  	[smem:$0x3FB7] =	sst s0;
	s0 =	simm.s32 @!p1 $0x0  }
0x14: {  	s2 =	sld [smem:$0x3F9B];
	s0 =	simm.s32 @p1 $0x1  }
0x15: {  	[smem:$0x3FB8] =	sst s0;
	s0 =	simm.s32 @!p2 $0x0  }
0x16: {  	s3 =	sld [smem:$0x3FDB];
	s0 =	simm.s32 @p2 $0x1  }
0x17: {  	s4 =	simm.s32 $0x1BF5;
	[smem:$0x3FBA] =	sst s0  }
0x18: {  	s0 =	sld [smem:$0x3F9D];
	_ =	swait.ge [sflag:s4], $0x0  }
0x19: {  	s7 =	sld [smem:$0x3F9E]  }
0x1a: {  	s8 =	sadd.s32 $0xFFFFE003, lr  }
0x1b: {  	s9 =	sadd.s32 $0xFFFFFEF7, lr;
	s5 =	simm.s32 $0xFFFFFFFF;
	p2 =	slt.u32 s8, $0xFFFFF086  }
0x1c: {  	p1 =	slt.u32 s9, $0xF7A;
	s5 =	simm.s32 @!p2 $0x0  }
0x1d: {  	s5 =	simm.s32 @p1 $0x1;
	p0 =	seq.s32 s7, s2  }
0x1e: {  	s7 =	smul.u32 @!p0 $0xF7A, s2;
	p2 =	seq.s32 @!p0 s5, $0x0  }
0x1f: {  	s9 =	smul.u32 $0xF7A, s1;
	s8 =	simm.s32 @!p0 $0x1BF5;
	p2 =	por !p2, p0  }
0x20: {  	[sflag:s8] =	ssyncset.s32 @!p0 $0xFFFFF086;
	s6 =	sadd.s32 @!p0 s3, s7;
	s7 =	simm.s32 @!p0 $0x108  }
0x21: {  	s3 =	sadd.s32 s3, s9;
	s6 =	sadd.s32 @!p0 $0x88, s6;
	s7 =	simm.s32 @p2 $0x1082  }
0x22: {  	[simem:s7], [sflag:s8] =	dma.local @!p0 [hbm:s6], $0xF7A  }
0x23: {  	s9 =	sor.u32 $0xD0000000, s2;
	s6 =	simm.s32 $0x108;
	_ =	swait.ge @!p0 [sflag:s8], $0x0  }
0x24: {  	s3 =	sadd.s32 $0x88, s3;
	s6 =	simm.s32 @!p1 $0x1082;
	[sflag:s4] =	ssyncset.s32 $0xFFFFF086  }
0x25: {  	[simem:s6], [sflag:s4] =	dma.local [hbm:s3], $0xF7A  }
0x26: {  	[smem:$0x3F9E] =	sst s1;
	(tag) =	ssettag s2;
	_ =	strace s9  }
0x27: {  	s1 =	sld [smem:$0x3FAE]  }
0x28: {  	s2 =	sld [smem:$0x3FAF]  }
0x29: {  	s4 =	sld [smem:$0x3FB1]  }
0x2a: {  	p0 =	seq.s32 s5, $0x0;
	s5 =	sld [smem:$0x3FB2]  }
0x2b: {  	s6 =	sld [smem:$0x3FB3]  }
0x2c: {  	s7 =	sld [smem:$0x3FB4]  }
0x2d: {  	s3 =	simm.s32 $0x108;
	s8 =	sld [smem:$0x3FB5]  }
0x2e: {  	s3 =	simm.s32 @!p0 $0x1082;
	s9 =	sld [smem:$0x3FB6]  }
0x2f: {  	lr =	sadd.s32 s0, s3;
	s0 =	sld [smem:$0x3FAD]  }
0x30: {  	s3 =	sld [smem:$0x3FB0]  }
0x31: {  	[smem:$0x3FB9] =	sst s10  }
0x32: {  	s10 =	sld [smem:$0x3FB7];
	_ =	sdelay $0x3  }
0x33: {  	p0 =	seq.s32 s10, $0x1;
	s10 =	sld [smem:$0x3FB9];
	_ =	sdelay $0x3  }
0x34: {  	[smem:$0x3FB9] =	sst s10  }
0x35: {  	s10 =	sld [smem:$0x3FB8];
	_ =	sdelay $0x3  }
0x36: {  	p1 =	seq.s32 s10, $0x1;
	s10 =	sld [smem:$0x3FB9];
	_ =	sdelay $0x3  }
0x37: {  	[smem:$0x3FB9] =	sst s10  }
0x38: {  	s10 =	sld [smem:$0x3FBA]  }
0x39: {  	_ = 	snop;
	(pc) =	sbr.ind lr, $3  }
0x3a: {  	_ = 	snop  }
0x3b: {  	_ = 	snop  }
0x3c: {  	p2 =	seq.s32 s10, $0x1;
	s10 =	sld [smem:$0x3FB9]  }
0x3d: {  	_ =	shalt  }
0x3e: {  	_ =	shalt  }
0x3f: {  	_ =	shalt  }
0x40: {  	_ =	shalt  }
0x41: {  	_ =	shalt  }
0x42: {  	_ =	shalt  }
0x43: {  	_ =	shalt  }
0x44: {  	_ =	shalt  }
0x45: {  	_ =	shalt  }
0x46: {  	_ =	shalt  }
0x47: {  	_ =	shalt  }
0x48: {  	_ =	shalt  }
0x49: {  	_ =	shalt  }
0x4a: {  	_ =	shalt  }
0x4b: {  	_ =	shalt  }
0x4c: {  	_ =	shalt  }
0x4d: {  	_ =	shalt  }
0x4e: {  	_ =	shalt  }
0x4f: {  	_ =	shalt  }
0x50: {  	_ =	shalt  }
0x51: {  	_ =	shalt  }
0x52: {  	_ =	shalt  }
0x53: {  	_ =	shalt  }
0x54: {  	_ =	shalt  }
0x55: {  	_ =	shalt  }
0x56: {  	_ =	shalt  }
0x57: {  	_ =	shalt  }
0x58: {  	_ =	shalt  }
0x59: {  	_ =	shalt  }
0x5a: {  	_ =	shalt  }
0x5b: {  	_ =	shalt  }
0x5c: {  	_ =	shalt  }
0x5d: {  	_ =	shalt  }
0x5e: {  	_ =	shalt  }
0x5f: {  	_ =	shalt  }
0x60: {  	_ =	shalt  }
0x61: {  	_ =	shalt  }
0x62: {  	_ =	shalt  }
0x63: {  	_ =	shalt  }
0x64: {  	_ =	shalt  }
0x65: {  	_ =	shalt  }
0x66: {  	_ =	shalt  }
0x67: {  	_ =	shalt  }
0x68: {  	_ =	shalt  }
0x69: {  	_ =	shalt  }
0x6a: {  	_ =	shalt  }
0x6b: {  	_ =	shalt  }
0x6c: {  	_ =	shalt  }
0x6d: {  	_ =	shalt  }
0x6e: {  	_ =	shalt  }
0x6f: {  	_ =	shalt  }
0x70: {  	_ =	shalt  }
0x71: {  	_ =	shalt  }
0x72: {  	_ =	shalt  }
0x73: {  	_ =	shalt  }
0x74: {  	_ =	shalt  }
0x75: {  	_ =	shalt  }
0x76: {  	_ =	shalt  }
0x77: {  	_ =	shalt  }
0x78: {  	_ =	shalt  }
0x79: {  	_ =	shalt  }
0x7a: {  	_ =	shalt  }
0x7b: {  	_ =	shalt  }
0x7c: {  	_ =	shalt  }
0x7d: {  	_ =	shalt  }
0x7e: {  	_ =	shalt  }
0x7f: {  	_ =	shalt  }
0x80: {  	_ =	shalt  }
0x81: {  	_ =	shalt  }
0x82: {  	_ =	shalt  }
0x83: {  	_ =	shalt  }
0x84: {  	_ =	shalt  }
0x85: {  	_ =	shalt  }
0x86: {  	_ =	shalt  }
0x87: {  	_ =	shalt  }
.Lfunc_end0:
.L_simem_size_0:
called_computation_lowered:
.L_overlay_start_0:
0x88: {  	s2 =	sld [smem:$0x3FD9]  }
0x89: {  	s3 =	sld [smem:$0x3FFE];
	_ =	sdelay $0x1  }
0x8a: {  	s1 =	srdreg.scid  }
0x8b: {  	s0 =	sand.u32 $0x1, s1  }
0x8c: {  	s17 =	sshll.u32 s0, $0xA;
	s2 =	sadd.s32 s3, s2  }
0x8d: {  	s2 =	sadd.s32 s2, s17  }
0x8e: {  	[smem:$0x3FC5] =	sst s2  }
0x8f: {  	_ = 	snop  }
0x90: {  	s2 =	sld [smem:$0x3FD0];
	(tm) =	ssettm $0x1  }
0x91: {  	s18 =	sld [smem:$0x3FFB];
	_ =	sdelay $0x3  }
0x92: {  	_ =	strace s18  }
0x93: {  	s3 =	sld [smem:$0x3FFC];
	_ =	sdelay $0x3  }
0x94: {  	_ =	strace s3  }
0x95: {  	s3 =	sld [smem:$0x3FFD];
	_ =	sdelay $0x3  }
0x96: {  	_ =	strace s3  }
0x97: {  	_ =	strace $0x8FFFFFFF  }
0x98: {  	s19 =	sld [smem:$0x3FDB];
	_ =	sdelay $0x1  }
0x99: {  	s4 =	simm.s32 $_scs_section_size  }
0x9a: {  	s5 =	simm.s32 $_size__tile_overlayer_lowered;
	s6 =	simm.s32 $_tile_overlayer_lowered  }
0x9b: {  	s22 =	simm.s32 $0x1BFF;
	s21 =	sshll.u32 s6, $0x1;
	s3 =	sadd.s32 s4, s19  }
0x9c: {  	s7 =	simm.s32 $0x0;
	s20 =	sshll.u32 s5, $0x1;
	s5 =	sadd.s32 s21, s3  }
0x9d: {  	[timem:s7], [sflag:s22] =	dma.local [hbm:s5], s20  }
0x9e: {  	_ =	swait.ge [sflag:s22], s20  }
0x9f: {  	s4 =	ssub.s32 $0x0, s20;
	[sflag:s22] =	ssyncset.done $0x0  }
0xa0: {  	[sflag:s22] =	ssyncadd.s32 s4;
	_ =	sdelay $0x1  }
0xa1: {  	s23 =	simm.s32 $0x1B8B  }
0xa2: {  	_ =	swait.ge [sflag:s23], $0x1  }
0xa3: {  	[sflag:s23] =	ssyncset.done $0x0  }
0xa4: {  	s25 =	simm.s32 $0x1B8E;
	s24 =	sld [smem:$0x3FFE];
	[sflag:s23] =	ssyncadd.s32 $0xFFFFFFFF  }
0xa5: {  	s26 =	simm.s32 $execute0_lowered;
	[smem:$0x3FD2] =	sst s25  }
0xa6: {  	s5 =	sshll.u32 s26, $0x1;
	_ =	strace $0x80000046;
	[dreg:$0x1] =	wrdreg $0xFFFFFFFF  }
0xa7: {  	s28 =	simm.s32 $_size_execute0_lowered;
	s3 =	sadd.s32 s3, s5;
	[dreg:$0x0] =	wrdreg $0x0  }
0xa8: {  	s5 =	sshll.u32 s28, $0x1;
	[dreg:$0x2] =	wrdreg s3  }
0xa9: {  	[dreg:$0x3] =	wrdreg s5  }
0xaa: {  	[dreg:$0x4] =	wrdreg $0xC0  }
0xab: {  	_ =	task [dreg:s7], $0x5FFFF  }
0xac: {  	[dreg:$0x1] =	wrdreg $0xFFFFFFFF  }
0xad: {  	[dreg:$0x0] =	wrdreg $0x60  }
0xae: {  	[dreg:$0x2] =	wrdreg s24  }
0xaf: {  	[dreg:$0x3] =	wrdreg s2  }
0xb0: {  	[dreg:$0x4] =	wrdreg $0x53800  }
0xb1: {  	[dreg:$0x5] =	wrdreg $0x9  }
0xb2: {  	_ =	task.clear_ibuf [dreg:s7], $0x6FFFF;
	_ =	strace $0x90000046  }
0xb3: {  	s29 =	simm.s32 $0x9;
	_ =	strace $0x80000048  }
0xb4: {  	_ =	swait.ge [sflag:s29], $0x1  }
0xb5: {  	[sflag:s29] =	ssyncadd.s32 $0xFFFFFFFF  }
0xb6: {  	_ =	strace $0x90000048  }
0xb7: {  	_ =	sfence  }
0xb8: {  	s30 =	sld [smem:$0x0];
	_ =	sdelay $0x2  }
0xb9: {  	s31 =	sshll.u32 s1, $0xD;
	s1 =	sshrl.u32 s1, $0x2  }
0xba: {  	s3 =	sand.u32 $0x4000, s31;
	s1 =	sadd.s32 s1, s30  }
0xbb: {  	s0 =	sor.u32 s3, s0;
	s1 =	sshll.u32 s1, $0x11  }
0xbc: {  	s0 =	sor.u32 s1, s0  }
0xbd: {  	s0 =	sadd.s32 $0x8F2B, s0  }
0xbe: {  	[sflag:s0] =	ssyncadd.remote.s32 $0x1  }
0xbf: {  	_ =	sfence.sel $0xFFFF  }
0xc0: {  	[dreg:$0x0] =	wrdreg $0xFFFFFFFF;
	(pc) =	sbr.abs _section_cstart, $3  }
0xc1: {  	[dreg:$0x1] =	wrdreg $0xFFFFFFFF  }
0xc2: {  	_ =	task.clear_ibuf [dreg:s7], $0x2FFFF;
	_ =	strace $0x9FFFFFFF  }
0xc3: {  	(tm) =	ssettm $0x7FFFFFFF  }
tec
execute0_lowered:
.L_overlay_start_1:
0x0: {  	(tag) =	ssettag $0x1  }
0x1: {  	s1 =	srdreg.scid  }
0x2: {  	s1 =	sand.u32 $0x1, s1  }
0x3: {  	p0 =	seq.s32 s1, $0x1  }
.Ltmp0:
0x4: {  	s4 =	rddreg [dreg:$0x0];
	(pc) =	sbr.rel @p0 .LBB2_14-.Ltmp0, $4  }
0x5: {  	s3 =	rddreg [dreg:$0x1]  }
0x6: {  	s2 =	rddreg [dreg:$0x2];
	s5 =	simm.s32 $0x0  }
0x7: {  	[smem:$0x7FF] =	sst s5  }
0x8: {  	s0 =	rddreg [dreg:$0x3];
	_ =	strace $0x80000047;
	s1 =	stileid.u32  }
0x9: {  	s10 =	sadd.s32 $0x188800, s4;
	s11 =	smul.u32 $0x30E, s1  }
0xa: {  	s7 =	sadd.s32 $0x65800, s4;
	s6 =	smul.u32 $0x18700, s1;
	s8 =	simm.s32 $0x5300  }
0xb: {  	s14 =	sshll.u32 s1, $0x6;
	s29 =	sadd.s32 $0x34800, s4;
	s30 =	smul.u32 $0x3100, s1  }
0xc: {  	s31 =	smul.u32 $0xC40, s1;
	s15 =	simm.s32 $0x1;
	s16 =	simm.s32 $0xC00  }
0xd: {  	[tilespmem:s8], [sflag:$0x2] =	stream.linear.gather [hbm4b:s7+s5], $0x80, $0x38;
	[tilespmem:$0x1DA80] =	vst v63  }
0xe: {  	s17 =	simm.s32 $0x1D00;
	s18 =	simm.s32 $0x800;
	s8 =	simm.s32 $0x2  }
0xf: {  	s7 =	sadd.s32 $0x3A00, s4;
	s14 =	sor.u32 $0x1C02, s14;
	_ =	swait.ge [sflag:s8], $0x80  }
0x10: {  	s9 =	sshrl.u32 s6, $0x3;
	s13 =	sadd.s32 s6, s2;
	[sflag:s8] =	ssyncset.done $0x0  }
0x11: {  	s9 =	sadd.s32 s7, s9;
	s13 =	sshrl.u32 s13, $0x3;
	[sflag:s8] =	ssyncadd.s32 $0xFFFFFF80  }
0x12: {  	[spmem:s13], [sflag:s14] =	dma.local [hbm:s9], $0x30E0  }
0x13: {  	s19 =	simm.s32 $0xA00;
	s20 =	simm.s32 $0x0;
	_ =	swait.ge [sflag:s8], $0x30E0  }
0x14: {  	s12 =	sadd.s32 s11, s4;
	s3 =	sadd.s32 s3, s11;
	[sflag:s8] =	ssyncset.done $0x0  }
0x15: {  	s4 =	sadd.s32 s29, s30;
	s10 =	sadd.s32 s30, s10;
	[sflag:s8] =	ssyncadd.s32 $0xFFFFCF20  }
0x16: {  	s11 =	sadd.s32 $0x10, s31;
	s9 =	sadd.s32 $0x800, s12;
	[bflag:$0x0] =	sbarrier.arrive $0xFFFF  }
0x17: {  	s12 =	simm.s32 $0x200;
	s13 =	simm.s32 $0x400;
	s14 =	simm.s32 $0x600;
	v0 =	vld [tilespmem:$0x5300]  }
.LBB2_2:
0x18: {  	s21 =	simm.s32 $0x0;
	s22 =	smov.u32 s11  }
.LBB2_3:
0x19: {  	s23 =	sadd.s32 s21, s10  }
0x1a: {  	[tilespmem:s5], [sflag:$0x2] =	stream.linear.gather [hbm4b:s23+s5], $0x400, $0x38;
	[tilespmem:$0x1DA80] =	vst v63  }
0x1b: {  	_ =	swait.ge [sflag:s8], $0x400  }
0x1c: {  	[sflag:s8] =	ssyncset.done $0x0  }
0x1d: {  	[sflag:s8] =	ssyncadd.s32 $0xFFFFFC00  }
0x1e: {  	[tilespmem:s13], [sflag:$0x1] =	stream.indirect.gather [spmem:s2], $0x1, s5, s12, $0xb8;
	[tilespmem:$0x1DA80] =	vst v63  }
0x1f: {  	_ = 	snop  }
0x20: {  	[tilespmem:s14], [sflag:$0x1] =	stream.indirect.gather [spmem:s2], $0x1, s12, s12, $0xb8;
	[tilespmem:$0x1DA80] =	vst v63  }
0x21: {  	_ =	swait.ge [sflag:s15], $0x200  }
0x22: {  	[sflag:s15] =	ssyncset.done $0x0  }
0x23: {  	[sflag:s15] =	ssyncadd.s32 $0xFFFFFE00  }
0x24: {  	_ =	swait.ge [sflag:s15], $0x200  }
0x25: {  	[sflag:s15] =	ssyncset.done $0x0  }
0x26: {  	[sflag:s15] =	ssyncadd.s32 $0xFFFFFE00  }
0x27: {  	v1 =	vld [tilespmem:$0x400]  }
0x28: {  	v2 =	vld [tilespmem:$0x410]  }
0x29: {  	v3 =	vld [tilespmem:$0x420]  }
0x2a: {  	v7 =	vld [tilespmem:$0x440]  }
0x2b: {  	v8 =	vld [tilespmem:$0x450]  }
0x2c: {  	v9 =	vld [tilespmem:$0x460]  }
0x2d: {  	v50 =	vld [tilespmem:$0x480]  }
0x2e: {  	v51 =	vld [tilespmem:$0x490]  }
0x2f: {  	v56 =	vld [tilespmem:$0x4A0]  }
0x30: {  	v57 =	vld [tilespmem:$0x4B0]  }
0x31: {  	v60 =	vld [tilespmem:$0x4C0]  }
0x32: {  	v12 =	vld [tilespmem:$0x4E0];
	v5 =	vadd.f32 $9.999999960e-13, v1;
	v6 =	vadd.f32 $9.999999960e-13, v2;
	v1 =	vand.u32 $0x7FFFFFFF, v1  }
0x33: {  	v13 =	vld [tilespmem:$0x4F0];
	v2 =	vand.u32 $0x7FFFFFFF, v2;
	v46 =	vadd.f32 $9.999999960e-13, v3;
	v47 =	vadd.f32 $9.999999960e-13, v7  }
0x34: {  	v17 =	vld [tilespmem:$0x500];
	v48 =	vand.u32 $0x7FFFFFFF, v7;
	v49 =	vadd.f32 $9.999999960e-13, v8;
	v52 =	vand.u32 $0x7FFFFFFF, v8  }
0x35: {  	v4 =	vld [tilespmem:$0x430];
	v53 =	vadd.f32 $9.999999960e-13, v9;
	v54 =	vand.u32 $0x7FFFFFFF, v9;
	v58 =	vadd.f32 $9.999999960e-13, v50  }
0x36: {  	v59 =	vadd.f32 $9.999999960e-13, v51;
	v61 =	vadd.f32 $9.999999960e-13, v56;
	v62 =	vand.u32 $0x7FFFFFFF, v56  }
0x37: {  	v18 =	vld [tilespmem:$0x510];
	v63 =	vadd.f32 $9.999999960e-13, v57;
	v14 =	vadd.f32 $9.999999960e-13, v60;
	v15 =	vand.u32 $0x7FFFFFFF, v60  }
0x38: {  	v21 =	vld [tilespmem:$0x520];
	v19 =	vadd.f32 $9.999999960e-13, v12;
	v1 =	vmin.f32 v1, v2;
	v2 =	vand.u32 $0x7FFFFFFF, v3  }
0x39: {  	v20 =	vadd.f32 $9.999999960e-13, v13;
	v22 =	vadd.f32 $9.999999960e-13, v17;
	v1 =	vmin.f32 v1, v2;
	v2 =	vld [tilespmem:$0x470]  }
0x3a: {  	v3 =	vadd.f32 $9.999999960e-13, v4;
	v4 =	vand.u32 $0x7FFFFFFF, v4;
	v5 =	vxor.u32 v5, v6  }
0x3b: {  	v23 =	vand.u32 $0x7FFFFFFF, v17;
	v5 =	vxor.u32 v46, v5;
	v1 =	vmin.f32 v1, v4  }
0x3c: {  	v25 =	vld [tilespmem:$0x540];
	v24 =	vadd.f32 $9.999999960e-13, v18;
	v3 =	vxor.u32 v3, v5;
	v1 =	vmin.f32 v1, v48  }
0x3d: {  	v26 =	vld [tilespmem:$0x550];
	v27 =	vadd.f32 $9.999999960e-13, v21;
	v3 =	vxor.u32 v47, v3;
	v1 =	vmin.f32 v1, v52  }
0x3e: {  	v1 =	vmin.f32 v1, v54;
	v55 =	vadd.f32 $9.999999960e-13, v2;
	v2 =	vand.u32 $0x7FFFFFFF, v2  }
0x3f: {  	v30 =	vld [tilespmem:$0x560];
	v3 =	vxor.u32 v49, v3;
	v1 =	vmin.f32 v1, v2;
	v2 =	vand.u32 $0x7FFFFFFF, v50  }
0x40: {  	v28 =	vand.u32 $0x7FFFFFFF, v21;
	v3 =	vxor.u32 v53, v3;
	v1 =	vmin.f32 v1, v2;
	v2 =	vld [tilespmem:$0x4D0]  }
0x41: {  	v32 =	vadd.f32 $9.999999960e-13, v25;
	v4 =	vand.u32 $0x7FFFFFFF, v51;
	v3 =	vxor.u32 v55, v3  }
0x42: {  	v33 =	vadd.f32 $9.999999960e-13, v26;
	v3 =	vxor.u32 v58, v3;
	v1 =	vmin.f32 v1, v4  }
0x43: {  	v31 =	vld [tilespmem:$0x570];
	v5 =	vand.u32 $0x7FFFFFFF, v57;
	v3 =	vxor.u32 v59, v3;
	v1 =	vmin.f32 v1, v62  }
0x44: {  	v34 =	vld [tilespmem:$0x580];
	v35 =	vadd.f32 $9.999999960e-13, v30;
	v3 =	vxor.u32 v61, v3;
	v1 =	vmin.f32 v1, v5  }
0x45: {  	v1 =	vmin.f32 v1, v15;
	v16 =	vadd.f32 $9.999999960e-13, v2;
	v2 =	vand.u32 $0x7FFFFFFF, v2  }
0x46: {  	v3 =	vxor.u32 v63, v3;
	v1 =	vmin.f32 v1, v2;
	v2 =	vand.u32 $0x7FFFFFFF, v12  }
0x47: {  	v36 =	vand.u32 $0x7FFFFFFF, v30;
	v3 =	vxor.u32 v14, v3;
	v1 =	vmin.f32 v1, v2;
	v2 =	vld [tilespmem:$0x530]  }
0x48: {  	v38 =	vld [tilespmem:$0x5A0];
	v37 =	vadd.f32 $9.999999960e-13, v31;
	v4 =	vand.u32 $0x7FFFFFFF, v13;
	v3 =	vxor.u32 v16, v3  }
0x49: {  	v39 =	vld [tilespmem:$0x5B0];
	v40 =	vadd.f32 $9.999999960e-13, v34;
	v3 =	vxor.u32 v19, v3;
	v1 =	vmin.f32 v1, v4  }
0x4a: {  	v10 =	vld [tilespmem:$0x5D0];
	v5 =	vand.u32 $0x7FFFFFFF, v18;
	v3 =	vxor.u32 v20, v3;
	v1 =	vmin.f32 v1, v23  }
0x4b: {  	v41 =	vld [tilespmem:$0x5C0];
	v42 =	vand.u32 $0x7FFFFFFF, v34;
	v3 =	vxor.u32 v22, v3;
	v1 =	vmin.f32 v1, v5  }
0x4c: {  	v1 =	vmin.f32 v1, v28;
	v29 =	vadd.f32 $9.999999960e-13, v2;
	v2 =	vand.u32 $0x7FFFFFFF, v2  }
0x4d: {  	v3 =	vxor.u32 v24, v3;
	v1 =	vmin.f32 v1, v2;
	v2 =	vand.u32 $0x7FFFFFFF, v25  }
0x4e: {  	v44 =	vadd.f32 $9.999999960e-13, v38;
	v3 =	vxor.u32 v27, v3;
	v1 =	vmin.f32 v1, v2;
	v2 =	vld [tilespmem:$0x590]  }
0x4f: {  	v45 =	vadd.f32 $9.999999960e-13, v39;
	v48 =	vadd.f32 $9.999999960e-13, v10;
	v3 =	vxor.u32 v29, v3  }
0x50: {  	v49 =	vand.u32 $0x7FFFFFFF, v41;
	v4 =	vand.u32 $0x7FFFFFFF, v26;
	v3 =	vxor.u32 v32, v3  }
0x51: {  	v5 =	vand.u32 $0x7FFFFFFF, v31;
	v1 =	vmin.f32 v1, v4;
	v3 =	vxor.u32 v33, v3  }
0x52: {  	v46 =	vld [tilespmem:$0x5E0];
	v4 =	vand.u32 $0x7FFFFFFF, v39;
	v1 =	vmin.f32 v1, v36;
	v3 =	vxor.u32 v35, v3  }
0x53: {  	v1 =	vmin.f32 v1, v5;
	v3 =	vxor.u32 v37, v3;
	v43 =	vadd.f32 $9.999999960e-13, v2  }
0x54: {  	v47 =	vld [tilespmem:$0x5F0];
	v1 =	vmin.f32 v1, v42;
	v3 =	vxor.u32 v40, v3;
	v2 =	vand.u32 $0x7FFFFFFF, v2  }
0x55: {  	v1 =	vmin.f32 v1, v2;
	v2 =	vand.u32 $0x7FFFFFFF, v38;
	v3 =	vxor.u32 v43, v3  }
0x56: {  	v1 =	vmin.f32 v1, v2;
	v2 =	vadd.f32 $9.999999960e-13, v41;
	v3 =	vxor.u32 v44, v3  }
0x57: {  	v50 =	vand.u32 $0x7FFFFFFF, v46;
	v1 =	vmin.f32 v1, v4;
	v3 =	vxor.u32 v45, v3  }
0x58: {  	v1 =	vmin.f32 v1, v49;
	v2 =	vxor.u32 v2, v3;
	v3 =	vand.u32 $0x7FFFFFFF, v10  }
0x59: {  	v51 =	vadd.f32 $9.999999960e-13, v47;
	v1 =	vmin.f32 v1, v3;
	v3 =	vadd.f32 $9.999999960e-13, v46  }
0x5a: {  	v5 =	vand.u32 $0x7FFFFFFF, v47;
	v2 =	vxor.u32 v48, v2;
	v1 =	vmin.f32 v1, v50  }
0x5b: {  	v2 =	vxor.u32 v3, v2;
	v1 =	vmin.f32 v1, v5  }
0x5c: {  	v2 =	vxor.u32 v51, v2;
	v1 =	vmul.f32 v1, v0  }
0x5d: {  	s30 =	sadd.s32 $0xFFFFFFF0, s22;
	v2 =	vand.u32 $0x80000000, v2  }
0x5e: {  	p0 =	slt.u32 s30, $0xC350;
	v1 =	vxor.u32 v1, v2  }
0x5f: {  	s31 =	sshra.s32 s21, $0x2;
	v1 =	vpsel !p0, $0x0, v1  }
0x60: {  	[tilespmem:s31+$0x4680] =	vst v1  }
0x61: {  	v1 =	vld [tilespmem:$0x600]  }
0x62: {  	v2 =	vld [tilespmem:$0x610]  }
0x63: {  	v3 =	vld [tilespmem:$0x620]  }
0x64: {  	v52 =	vld [tilespmem:$0x630]  }
0x65: {  	v55 =	vld [tilespmem:$0x640]  }
0x66: {  	v56 =	vld [tilespmem:$0x650]  }
0x67: {  	v58 =	vld [tilespmem:$0x660]  }
0x68: {  	v62 =	vld [tilespmem:$0x680]  }
0x69: {  	v63 =	vld [tilespmem:$0x690]  }
0x6a: {  	v16 =	vld [tilespmem:$0x6A0]  }
0x6b: {  	v17 =	vld [tilespmem:$0x6B0];
	v53 =	vadd.f32 $9.999999960e-13, v1;
	v54 =	vadd.f32 $9.999999960e-13, v2;
	v1 =	vand.u32 $0x7FFFFFFF, v1  }
0x6c: {  	v20 =	vld [tilespmem:$0x6C0];
	v2 =	vand.u32 $0x7FFFFFFF, v2;
	v57 =	vadd.f32 $9.999999960e-13, v3;
	v4 =	vand.u32 $0x7FFFFFFF, v52  }
0x6d: {  	v59 =	vadd.f32 $9.999999960e-13, v55;
	v60 =	vand.u32 $0x7FFFFFFF, v55;
	v61 =	vadd.f32 $9.999999960e-13, v56  }
0x6e: {  	v24 =	vld [tilespmem:$0x6E0];
	v12 =	vand.u32 $0x7FFFFFFF, v56;
	v13 =	vadd.f32 $9.999999960e-13, v58;
	v18 =	vadd.f32 $9.999999960e-13, v62  }
0x6f: {  	v25 =	vld [tilespmem:$0x6F0];
	v14 =	vand.u32 $0x7FFFFFFF, v58;
	v19 =	vadd.f32 $9.999999960e-13, v63;
	v21 =	vadd.f32 $9.999999960e-13, v16  }
0x70: {  	v29 =	vld [tilespmem:$0x700];
	v22 =	vand.u32 $0x7FFFFFFF, v16;
	v1 =	vmin.f32 v1, v2;
	v2 =	vand.u32 $0x7FFFFFFF, v3  }
0x71: {  	v23 =	vadd.f32 $9.999999960e-13, v17;
	v26 =	vadd.f32 $9.999999960e-13, v20;
	v1 =	vmin.f32 v1, v2;
	v2 =	vld [tilespmem:$0x670]  }
0x72: {  	v27 =	vand.u32 $0x7FFFFFFF, v20;
	v3 =	vadd.f32 $9.999999960e-13, v52;
	v5 =	vxor.u32 v53, v54  }
0x73: {  	v31 =	vadd.f32 $9.999999960e-13, v24;
	v5 =	vxor.u32 v57, v5;
	v1 =	vmin.f32 v1, v4  }
0x74: {  	v30 =	vld [tilespmem:$0x710];
	v32 =	vadd.f32 $9.999999960e-13, v25;
	v3 =	vxor.u32 v3, v5;
	v1 =	vmin.f32 v1, v60  }
0x75: {  	v33 =	vld [tilespmem:$0x720];
	v34 =	vadd.f32 $9.999999960e-13, v29;
	v3 =	vxor.u32 v59, v3;
	v1 =	vmin.f32 v1, v12  }
0x76: {  	v1 =	vmin.f32 v1, v14;
	v15 =	vadd.f32 $9.999999960e-13, v2;
	v2 =	vand.u32 $0x7FFFFFFF, v2  }
0x77: {  	v3 =	vxor.u32 v61, v3;
	v1 =	vmin.f32 v1, v2;
	v2 =	vand.u32 $0x7FFFFFFF, v62  }
0x78: {  	v35 =	vand.u32 $0x7FFFFFFF, v29;
	v3 =	vxor.u32 v13, v3;
	v1 =	vmin.f32 v1, v2;
	v2 =	vld [tilespmem:$0x6D0]  }
0x79: {  	v36 =	vadd.f32 $9.999999960e-13, v30;
	v4 =	vand.u32 $0x7FFFFFFF, v63;
	v3 =	vxor.u32 v15, v3  }
0x7a: {  	v37 =	vld [tilespmem:$0x740];
	v39 =	vadd.f32 $9.999999960e-13, v33;
	v3 =	vxor.u32 v18, v3;
	v1 =	vmin.f32 v1, v4  }
0x7b: {  	v38 =	vld [tilespmem:$0x750];
	v5 =	vand.u32 $0x7FFFFFFF, v17;
	v3 =	vxor.u32 v19, v3;
	v1 =	vmin.f32 v1, v22  }
0x7c: {  	v42 =	vld [tilespmem:$0x760];
	v40 =	vand.u32 $0x7FFFFFFF, v33;
	v3 =	vxor.u32 v21, v3;
	v1 =	vmin.f32 v1, v5  }
0x7d: {  	v1 =	vmin.f32 v1, v27;
	v28 =	vadd.f32 $9.999999960e-13, v2;
	v2 =	vand.u32 $0x7FFFFFFF, v2  }
0x7e: {  	v3 =	vxor.u32 v23, v3;
	v1 =	vmin.f32 v1, v2;
	v2 =	vand.u32 $0x7FFFFFFF, v24  }
0x7f: {  	v44 =	vadd.f32 $9.999999960e-13, v37;
	v3 =	vxor.u32 v26, v3;
	v1 =	vmin.f32 v1, v2;
	v2 =	vld [tilespmem:$0x730]  }
0x80: {  	v43 =	vld [tilespmem:$0x770];
	v45 =	vadd.f32 $9.999999960e-13, v38;
	v4 =	vand.u32 $0x7FFFFFFF, v25;
	v3 =	vxor.u32 v28, v3  }
0x81: {  	v46 =	vld [tilespmem:$0x780];
	v47 =	vadd.f32 $9.999999960e-13, v42;
	v3 =	vxor.u32 v31, v3;
	v1 =	vmin.f32 v1, v4  }
0x82: {  	v51 =	vld [tilespmem:$0x7B0];
	v5 =	vand.u32 $0x7FFFFFFF, v30;
	v3 =	vxor.u32 v32, v3;
	v1 =	vmin.f32 v1, v35  }
0x83: {  	v48 =	vand.u32 $0x7FFFFFFF, v42;
	v3 =	vxor.u32 v34, v3;
	v1 =	vmin.f32 v1, v5  }
0x84: {  	v50 =	vld [tilespmem:$0x7A0];
	v1 =	vmin.f32 v1, v40;
	v41 =	vadd.f32 $9.999999960e-13, v2;
	v2 =	vand.u32 $0x7FFFFFFF, v2  }
0x85: {  	v3 =	vxor.u32 v36, v3;
	v1 =	vmin.f32 v1, v2;
	v2 =	vand.u32 $0x7FFFFFFF, v37  }
0x86: {  	v49 =	vadd.f32 $9.999999960e-13, v43;
	v3 =	vxor.u32 v39, v3;
	v1 =	vmin.f32 v1, v2;
	v2 =	vld [tilespmem:$0x790]  }
0x87: {  	v58 =	vadd.f32 $9.999999960e-13, v51;
	v52 =	vadd.f32 $9.999999960e-13, v46;
	v3 =	vxor.u32 v41, v3  }
0x88: {  	v54 =	vand.u32 $0x7FFFFFFF, v46;
	v4 =	vand.u32 $0x7FFFFFFF, v38;
	v3 =	vxor.u32 v44, v3  }
0x89: {  	v53 =	vld [tilespmem:$0x7C0];
	v57 =	vadd.f32 $9.999999960e-13, v50;
	v1 =	vmin.f32 v1, v4;
	v3 =	vxor.u32 v45, v3  }
0x8a: {  	v56 =	vld [tilespmem:$0x7D0];
	v5 =	vand.u32 $0x7FFFFFFF, v43;
	v1 =	vmin.f32 v1, v48;
	v3 =	vxor.u32 v47, v3  }
0x8b: {  	v1 =	vmin.f32 v1, v5;
	v3 =	vxor.u32 v49, v3;
	v55 =	vadd.f32 $9.999999960e-13, v2  }
0x8c: {  	v60 =	vld [tilespmem:$0x7F0];
	v1 =	vmin.f32 v1, v54;
	v3 =	vxor.u32 v52, v3;
	v2 =	vand.u32 $0x7FFFFFFF, v2  }
0x8d: {  	v59 =	vld [tilespmem:$0x7E0];
	v1 =	vmin.f32 v1, v2;
	v2 =	vand.u32 $0x7FFFFFFF, v50;
	v3 =	vxor.u32 v55, v3  }
0x8e: {  	v1 =	vmin.f32 v1, v2;
	v2 =	vadd.f32 $9.999999960e-13, v53;
	v3 =	vxor.u32 v57, v3  }
0x8f: {  	v61 =	vadd.f32 $9.999999960e-13, v56;
	v4 =	vand.u32 $0x7FFFFFFF, v51;
	v3 =	vxor.u32 v58, v3  }
0x90: {  	v1 =	vmin.f32 v1, v4;
	v2 =	vxor.u32 v2, v3;
	v3 =	vand.u32 $0x7FFFFFFF, v53  }
0x91: {  	v63 =	vadd.f32 $9.999999960e-13, v60;
	v1 =	vmin.f32 v1, v3;
	v3 =	vand.u32 $0x7FFFFFFF, v56  }
0x92: {  	v62 =	vand.u32 $0x7FFFFFFF, v59;
	v1 =	vmin.f32 v1, v3;
	v3 =	vadd.f32 $9.999999960e-13, v59  }
0x93: {  	v5 =	vand.u32 $0x7FFFFFFF, v60;
	v2 =	vxor.u32 v61, v2;
	v1 =	vmin.f32 v1, v62  }
0x94: {  	p0 =	sne.s32 s21, $0x3080;
	v2 =	vxor.u32 v3, v2;
	v1 =	vmin.f32 v1, v5  }
.Ltmp1:
0x95: {  	v2 =	vxor.u32 v63, v2;
	v1 =	vmul.f32 v1, v0;
	(pc) =	sbr.rel @p0 .LBB2_3-.Ltmp1, $4  }
0x96: {  	v2 =	vand.u32 $0x80000000, v2  }
0x97: {  	p6 =	slt.u32 s22, $0xC350;
	v1 =	vxor.u32 v1, v2  }
0x98: {  	v1 =	vpsel !p6, $0x0, v1  }
0x99: {  	s22 =	sadd.s32 $0x20, s22;
	s21 =	sadd.s32 $0x80, s21;
	[tilespmem:s31+$0x4690] =	vst v1  }
0x9a: {  	[bflag:$0x0] =	sbarrier.arrive $0xFFFF;
	s21 =	simm.s32 $0x0;
	s22 =	simm.s32 $0x0  }
.LBB2_5:
0x9b: {  	s23 =	smul.u32 $0x1100, s22;
	_ =	sdelay $0x1  }
0x9c: {  	s24 =	sadd.s32 s6, s23  }
0x9d: {  	s23 =	sadd.s32 s24, s2  }
0x9e: {  	[tilespmem:s16], [sflag:$0x2] =	stream.linear.gather [spmem:s23], $0x1100, $0x38;
	[tilespmem:$0x1DA80] =	vst v63  }
0x9f: {  	_ =	swait.ge [sflag:s8], $0x1100  }
0xa0: {  	s24 =	sshrl.u32 s24, $0x3;
	[sflag:s8] =	ssyncset.done $0x0  }
0xa1: {  	s24 =	sadd.s32 s7, s24;
	[sflag:s8] =	ssyncadd.s32 $0xFFFFEF00  }
0xa2: {  	[tilespmem:s17], [sflag:$0x2] =	stream.linear.gather [hbm4b:s24+s21], $0x1100, $0x38;
	[tilespmem:$0x1DA80] =	vst v63  }
0xa3: {  	_ =	swait.ge [sflag:s8], $0x1100  }
0xa4: {  	[sflag:s8] =	ssyncset.done $0x0  }
0xa5: {  	s24 =	simm.s32 $0x0;
	[sflag:s8] =	ssyncadd.s32 $0xFFFFEF00  }
0xa6: {  	s25 =	simm.s32 $0x40;
	v1 =	vld [tilespmem:s24+$0x1D00]  }
.LBB2_6:
0xa7: {  	p0 =	sne.s32 s25, $0x43C0;
	v2 =	vld [tilespmem:s24+$0xC00];
	_ =	sdelay $0x2  }
.Ltmp2:
0xa8: {  	(pc) =	sbr.rel @p0 .LBB2_6-.Ltmp2, $4  }
0xa9: {  	_ = 	snop  }
0xaa: {  	v2 =	vsub.f32 v1, v2  }
0xab: {  	s26 =	sshra.s32 s25, $0x2  }
0xac: {  	s25 =	sadd.s32 $0x40, s25;
	v1 =	vld [tilespmem:s26+$0x1D00];
	[tilespmem:s24+$0xC00] =	vst v2;
	s24 =	smov.u32 s26  }
0xad: {  	v2 =	vld [tilespmem:s24+$0xC00];
	_ =	sdelay $0x4  }
0xae: {  	s22 =	sadd.s32 $0x1, s22;
	v1 =	vsub.f32 v1, v2  }
0xaf: {  	p0 =	sne.s32 s22, $0x17  }
.Ltmp3:
0xb0: {  	[tilespmem:s24+$0xC00] =	vst v1;
	(pc) =	sbr.rel @p0 .LBB2_5-.Ltmp3, $4  }
0xb1: {  	[spmem:s23] =	stream.linear.scatter [tilespmem:s16], [sflag:$0x2], $0x1100, $0x38;
	[tilespmem:$0x1DA80] =	vst v63  }
0xb2: {  	_ =	swait.ge [sflag:s8], $0x1100  }
0xb3: {  	[sflag:s8] =	ssyncset.done $0x0  }
0xb4: {  	[sflag:s8] =	ssyncadd.s32 $0xFFFFEF00  }
0xb5: {  	[bflag:$0x0] =	sbarrier.arrive $0xFFFF;
	s21 =	simm.s32 $0x0  }
.LBB2_9:
0xb6: {  	s22 =	sadd.s32 s21, s10  }
0xb7: {  	[tilespmem:s5], [sflag:$0x2] =	stream.linear.gather [hbm4b:s22+s5], $0x400, $0x38;
	[tilespmem:$0x1DA80] =	vst v63  }
0xb8: {  	_ =	swait.ge [sflag:s8], $0x400  }
0xb9: {  	[sflag:s8] =	ssyncset.done $0x0  }
0xba: {  	s31 =	sshra.s32 s21, $0x2;
	[sflag:s8] =	ssyncadd.s32 $0xFFFFFC00  }
0xbb: {  	v1 =	vld [tilespmem:s31+$0x4680];
	_ =	sdelay $0x4  }
0xbc: {  	[tilespmem:$0x800] =	vst v1  }
0xbd: {  	[tilespmem:$0x810] =	vst v1  }
0xbe: {  	[tilespmem:$0x820] =	vst v1  }
0xbf: {  	[tilespmem:$0x830] =	vst v1  }
0xc0: {  	[tilespmem:$0x840] =	vst v1  }
0xc1: {  	[tilespmem:$0x850] =	vst v1  }
0xc2: {  	[tilespmem:$0x860] =	vst v1  }
0xc3: {  	[tilespmem:$0x870] =	vst v1  }
0xc4: {  	[tilespmem:$0x880] =	vst v1  }
0xc5: {  	[tilespmem:$0x890] =	vst v1  }
0xc6: {  	[tilespmem:$0x8A0] =	vst v1  }
0xc7: {  	[tilespmem:$0x8B0] =	vst v1  }
0xc8: {  	[tilespmem:$0x8C0] =	vst v1  }
0xc9: {  	[tilespmem:$0x8D0] =	vst v1  }
0xca: {  	[tilespmem:$0x8E0] =	vst v1  }
0xcb: {  	[tilespmem:$0x8F0] =	vst v1  }
0xcc: {  	[tilespmem:$0x900] =	vst v1  }
0xcd: {  	[tilespmem:$0x910] =	vst v1  }
0xce: {  	[tilespmem:$0x920] =	vst v1  }
0xcf: {  	[tilespmem:$0x930] =	vst v1  }
0xd0: {  	[tilespmem:$0x940] =	vst v1  }
0xd1: {  	[tilespmem:$0x950] =	vst v1  }
0xd2: {  	[tilespmem:$0x960] =	vst v1  }
0xd3: {  	[tilespmem:$0x970] =	vst v1  }
0xd4: {  	[tilespmem:$0x980] =	vst v1  }
0xd5: {  	[tilespmem:$0x990] =	vst v1  }
0xd6: {  	[tilespmem:$0x9A0] =	vst v1  }
0xd7: {  	[tilespmem:$0x9B0] =	vst v1  }
0xd8: {  	[tilespmem:$0x9C0] =	vst v1  }
0xd9: {  	[tilespmem:$0x9D0] =	vst v1  }
0xda: {  	[tilespmem:$0x9E0] =	vst v1  }
0xdb: {  	[tilespmem:$0x9F0] =	vst v1  }
0xdc: {  	v1 =	vld [tilespmem:s31+$0x4690];
	_ =	sdelay $0x4  }
0xdd: {  	[tilespmem:$0xA00] =	vst v1  }
0xde: {  	[tilespmem:$0xA10] =	vst v1  }
0xdf: {  	[tilespmem:$0xA20] =	vst v1  }
0xe0: {  	[tilespmem:$0xA30] =	vst v1  }
0xe1: {  	[tilespmem:$0xA40] =	vst v1  }
0xe2: {  	[tilespmem:$0xA50] =	vst v1  }
0xe3: {  	[tilespmem:$0xA60] =	vst v1  }
0xe4: {  	[tilespmem:$0xA70] =	vst v1  }
0xe5: {  	[tilespmem:$0xA80] =	vst v1  }
0xe6: {  	[tilespmem:$0xA90] =	vst v1  }
0xe7: {  	[tilespmem:$0xAA0] =	vst v1  }
0xe8: {  	[tilespmem:$0xAB0] =	vst v1  }
0xe9: {  	[tilespmem:$0xAC0] =	vst v1  }
0xea: {  	[tilespmem:$0xAD0] =	vst v1  }
0xeb: {  	[tilespmem:$0xAE0] =	vst v1  }
0xec: {  	[tilespmem:$0xAF0] =	vst v1  }
0xed: {  	[tilespmem:$0xB00] =	vst v1  }
0xee: {  	[tilespmem:$0xB10] =	vst v1  }
0xef: {  	[tilespmem:$0xB20] =	vst v1  }
0xf0: {  	[tilespmem:$0xB30] =	vst v1  }
0xf1: {  	[tilespmem:$0xB40] =	vst v1  }
0xf2: {  	[tilespmem:$0xB50] =	vst v1  }
0xf3: {  	[tilespmem:$0xB60] =	vst v1  }
0xf4: {  	[tilespmem:$0xB70] =	vst v1  }
0xf5: {  	[tilespmem:$0xB80] =	vst v1  }
0xf6: {  	[tilespmem:$0xB90] =	vst v1  }
0xf7: {  	[tilespmem:$0xBA0] =	vst v1  }
0xf8: {  	[tilespmem:$0xBB0] =	vst v1  }
0xf9: {  	[tilespmem:$0xBC0] =	vst v1  }
0xfa: {  	[tilespmem:$0xBD0] =	vst v1  }
0xfb: {  	[tilespmem:$0xBE0] =	vst v1  }
0xfc: {  	[tilespmem:$0xBF0] =	vst v1  }
0xfd: {  	[spmem:s2] =	stream.indirect.scatter.add.f32 [tilespmem:s18], [sflag:$0x1], $0x1, s5, s12, $0xb8;
	[tilespmem:$0x1DA80] =	vst v63  }
0xfe: {  	_ = 	snop  }
0xff: {  	[spmem:s2] =	stream.indirect.scatter.add.f32 [tilespmem:s19], [sflag:$0x1], $0x1, s12, s12, $0xb8;
	[tilespmem:$0x1DA80] =	vst v63  }
0x100: {  	p0 =	sne.s32 s21, $0x3080;
	_ =	swait.ge [sflag:s15], $0x200  }
.Ltmp4:
0x101: {  	[sflag:s15] =	ssyncset.done $0x0;
	(pc) =	sbr.rel @p0 .LBB2_9-.Ltmp4, $4  }
0x102: {  	[sflag:s15] =	ssyncadd.s32 $0xFFFFFE00  }
0x103: {  	_ =	swait.ge [sflag:s15], $0x200  }
0x104: {  	[sflag:s15] =	ssyncset.done $0x0  }
0x105: {  	s21 =	sadd.s32 $0x80, s21;
	[sflag:s15] =	ssyncadd.s32 $0xFFFFFE00  }
0x106: {  	s20 =	sadd.s32 $0x1, s20  }
0x107: {  	p0 =	sne.s32 s20, $0x4  }
.Ltmp5:
0x108: {  	_ = 	snop;
	(pc) =	sbr.rel @p0 .LBB2_2-.Ltmp5, $2  }
0x109: {  	_ =	sdelay $0x1  }
0x10a: {  	[bflag:$0x0] =	sbarrier.arrive $0xFFFF;
	_ =	sdelay $0x1  }
0x10b: {  	s5 =	simm.s32 $0x0;
	s6 =	simm.s32 $0x2E00  }
0x10c: {  	[tilespmem:s6], [sflag:$0x2] =	stream.linear.gather [hbm4b:s9+s5], $0x1870, $0x38;
	[tilespmem:$0x1DA80] =	vst v63  }
0x10d: {  	s6 =	simm.s32 $0x2  }
0x10e: {  	_ =	swait.ge [sflag:s6], $0x1870  }
0x10f: {  	[sflag:s6] =	ssyncset.done $0x0  }
0x110: {  	s7 =	sadd.s32 $0x0, s4;
	[sflag:s6] =	ssyncadd.s32 $0xFFFFE790  }
0x111: {  	[tilespmem:s5], [sflag:$0x2] =	stream.linear.gather [hbm4b:s7+s5], $0x400, $0x38;
	[tilespmem:$0x1DA80] =	vst v63  }
0x112: {  	_ =	swait.ge [sflag:s6], $0x400  }
0x113: {  	[sflag:s6] =	ssyncset.done $0x0  }
0x114: {  	s8 =	simm.s32 $0x400;
	s7 =	simm.s32 $0x200;
	[sflag:s6] =	ssyncadd.s32 $0xFFFFFC00  }
0x115: {  	[tilespmem:s8], [sflag:$0x1] =	stream.indirect.gather [spmem:s2], $0x1, s5, s7, $0xb8;
	[tilespmem:$0x1DA80] =	vst v63  }
0x116: {  	s10 =	simm.s32 $0x1;
	s9 =	simm.s32 $0x600  }
0x117: {  	[tilespmem:s9], [sflag:$0x1] =	stream.indirect.gather [spmem:s2], $0x1, s7, s7, $0xb8;
	[tilespmem:$0x1DA80] =	vst v63  }
0x118: {  	_ =	swait.ge [sflag:s10], $0x200  }
0x119: {  	[sflag:s10] =	ssyncset.done $0x0  }
0x11a: {  	[sflag:s10] =	ssyncadd.s32 $0xFFFFFE00  }
0x11b: {  	_ =	swait.ge [sflag:s10], $0x200  }
0x11c: {  	[sflag:s10] =	ssyncset.done $0x0  }
0x11d: {  	[sflag:s10] =	ssyncadd.s32 $0xFFFFFE00  }
0x11e: {  	v0 =	vld [tilespmem:$0x400]  }
0x11f: {  	v1 =	vld [tilespmem:$0x410];
	_ =	sdelay $0x1  }
0x120: {  	v2 =	vld [tilespmem:$0x420];
	_ =	sdelay $0x1  }
0x121: {  	v3 =	vld [tilespmem:$0x430]  }
0x122: {  	v0 =	vadd.f32 v1, v0  }
0x123: {  	v1 =	vld [tilespmem:$0x440]  }
0x124: {  	v0 =	vadd.f32 v2, v0  }
0x125: {  	v2 =	vld [tilespmem:$0x450]  }
0x126: {  	v0 =	vadd.f32 v3, v0  }
0x127: {  	v3 =	vld [tilespmem:$0x460]  }
0x128: {  	v0 =	vadd.f32 v1, v0  }
0x129: {  	v1 =	vld [tilespmem:$0x470]  }
0x12a: {  	v0 =	vadd.f32 v2, v0  }
0x12b: {  	v2 =	vld [tilespmem:$0x480]  }
0x12c: {  	v0 =	vadd.f32 v3, v0  }
0x12d: {  	v3 =	vld [tilespmem:$0x490]  }
0x12e: {  	v0 =	vadd.f32 v1, v0  }
0x12f: {  	v1 =	vld [tilespmem:$0x4A0]  }
0x130: {  	v0 =	vadd.f32 v2, v0  }
0x131: {  	v2 =	vld [tilespmem:$0x4B0]  }
0x132: {  	v0 =	vadd.f32 v3, v0  }
0x133: {  	v3 =	vld [tilespmem:$0x4C0]  }
0x134: {  	v0 =	vadd.f32 v1, v0  }
0x135: {  	v1 =	vld [tilespmem:$0x4D0]  }
0x136: {  	v0 =	vadd.f32 v2, v0  }
0x137: {  	v2 =	vld [tilespmem:$0x4E0]  }
0x138: {  	v0 =	vadd.f32 v3, v0  }
0x139: {  	v3 =	vld [tilespmem:$0x4F0]  }
0x13a: {  	s11 =	simm.s32 $0x2E20;
	v0 =	vadd.f32 v1, v0  }
0x13b: {  	v1 =	vld [tilespmem:s11+$0xFFFFFFE0]  }
0x13c: {  	v0 =	vadd.f32 v2, v0;
	_ =	sdelay $0x1  }
0x13d: {  	v0 =	vadd.f32 v3, v0;
	_ =	sdelay $0x1  }
0x13e: {  	v1 =	vadd.f32 v0, v1;
	_ =	sdelay $0x1  }
0x13f: {  	[tilespmem:s11+$0xFFFFFFE0] =	vst v1  }
0x140: {  	v1 =	vld [tilespmem:$0x500]  }
0x141: {  	v4 =	vld [tilespmem:$0x510];
	_ =	sdelay $0x1  }
0x142: {  	v5 =	vld [tilespmem:$0x520];
	_ =	sdelay $0x1  }
0x143: {  	v6 =	vld [tilespmem:$0x530]  }
0x144: {  	v1 =	vadd.f32 v4, v1  }
0x145: {  	v38 =	vld [tilespmem:$0x540]  }
0x146: {  	v1 =	vadd.f32 v5, v1  }
0x147: {  	v39 =	vld [tilespmem:$0x550]  }
0x148: {  	v1 =	vadd.f32 v6, v1  }
0x149: {  	v40 =	vld [tilespmem:$0x560]  }
0x14a: {  	v1 =	vadd.f32 v38, v1  }
0x14b: {  	v41 =	vld [tilespmem:$0x570]  }
0x14c: {  	v1 =	vadd.f32 v39, v1  }
0x14d: {  	v42 =	vld [tilespmem:$0x580]  }
0x14e: {  	v1 =	vadd.f32 v40, v1  }
0x14f: {  	v43 =	vld [tilespmem:$0x590]  }
0x150: {  	v1 =	vadd.f32 v41, v1  }
0x151: {  	v44 =	vld [tilespmem:$0x5A0]  }
0x152: {  	v1 =	vadd.f32 v42, v1  }
0x153: {  	v45 =	vld [tilespmem:$0x5B0]  }
0x154: {  	v1 =	vadd.f32 v43, v1  }
0x155: {  	v46 =	vld [tilespmem:$0x5C0]  }
0x156: {  	v1 =	vadd.f32 v44, v1  }
0x157: {  	v47 =	vld [tilespmem:$0x5D0]  }
0x158: {  	v1 =	vadd.f32 v45, v1  }
0x159: {  	v48 =	vld [tilespmem:$0x5E0]  }
0x15a: {  	v1 =	vadd.f32 v46, v1  }
0x15b: {  	v49 =	vld [tilespmem:$0x5F0]  }
0x15c: {  	v1 =	vadd.f32 v47, v1  }
0x15d: {  	v2 =	vld [tilespmem:s11+$0xFFFFFFF0]  }
0x15e: {  	v1 =	vadd.f32 v48, v1;
	_ =	sdelay $0x1  }
0x15f: {  	v1 =	vadd.f32 v49, v1;
	_ =	sdelay $0x1  }
0x160: {  	v1 =	vadd.f32 v1, v2;
	_ =	sdelay $0x1  }
0x161: {  	[tilespmem:s11+$0xFFFFFFF0] =	vst v1  }
0x162: {  	v1 =	vld [tilespmem:$0x600]  }
0x163: {  	v2 =	vld [tilespmem:$0x610];
	_ =	sdelay $0x1  }
0x164: {  	v50 =	vld [tilespmem:$0x620];
	_ =	sdelay $0x1  }
0x165: {  	v51 =	vld [tilespmem:$0x630]  }
0x166: {  	v1 =	vadd.f32 v2, v1  }
0x167: {  	v2 =	vld [tilespmem:$0x640]  }
0x168: {  	v1 =	vadd.f32 v50, v1  }
0x169: {  	v52 =	vld [tilespmem:$0x650]  }
0x16a: {  	v1 =	vadd.f32 v51, v1  }
0x16b: {  	v53 =	vld [tilespmem:$0x660]  }
0x16c: {  	v1 =	vadd.f32 v2, v1  }
0x16d: {  	v2 =	vld [tilespmem:$0x670]  }
0x16e: {  	v1 =	vadd.f32 v52, v1  }
0x16f: {  	v54 =	vld [tilespmem:$0x680]  }
0x170: {  	v1 =	vadd.f32 v53, v1  }
0x171: {  	v55 =	vld [tilespmem:$0x690]  }
0x172: {  	v1 =	vadd.f32 v2, v1  }
0x173: {  	v2 =	vld [tilespmem:$0x6A0]  }
0x174: {  	v1 =	vadd.f32 v54, v1  }
0x175: {  	v56 =	vld [tilespmem:$0x6B0]  }
0x176: {  	v1 =	vadd.f32 v55, v1  }
0x177: {  	v57 =	vld [tilespmem:$0x6C0]  }
0x178: {  	v1 =	vadd.f32 v2, v1  }
0x179: {  	v2 =	vld [tilespmem:$0x6D0]  }
0x17a: {  	v1 =	vadd.f32 v56, v1  }
0x17b: {  	v58 =	vld [tilespmem:$0x6E0]  }
0x17c: {  	v1 =	vadd.f32 v57, v1  }
0x17d: {  	v59 =	vld [tilespmem:$0x6F0]  }
0x17e: {  	v1 =	vadd.f32 v2, v1  }
0x17f: {  	v3 =	vld [tilespmem:s11+$0x0]  }
0x180: {  	v1 =	vadd.f32 v58, v1;
	_ =	sdelay $0x1  }
0x181: {  	v1 =	vadd.f32 v59, v1;
	_ =	sdelay $0x1  }
0x182: {  	v1 =	vadd.f32 v1, v3;
	_ =	sdelay $0x1  }
0x183: {  	[tilespmem:s11+$0x0] =	vst v1  }
0x184: {  	v1 =	vld [tilespmem:$0x700]  }
0x185: {  	v2 =	vld [tilespmem:$0x710];
	_ =	sdelay $0x1  }
0x186: {  	v3 =	vld [tilespmem:$0x720];
	_ =	sdelay $0x1  }
0x187: {  	v60 =	vld [tilespmem:$0x730]  }
0x188: {  	v1 =	vadd.f32 v2, v1  }
0x189: {  	v2 =	vld [tilespmem:$0x740]  }
0x18a: {  	v1 =	vadd.f32 v3, v1  }
0x18b: {  	v3 =	vld [tilespmem:$0x750]  }
0x18c: {  	v1 =	vadd.f32 v60, v1  }
0x18d: {  	v61 =	vld [tilespmem:$0x760]  }
0x18e: {  	v1 =	vadd.f32 v2, v1  }
0x18f: {  	v2 =	vld [tilespmem:$0x770]  }
0x190: {  	v1 =	vadd.f32 v3, v1  }
0x191: {  	v3 =	vld [tilespmem:$0x780]  }
0x192: {  	v1 =	vadd.f32 v61, v1  }
0x193: {  	v62 =	vld [tilespmem:$0x790]  }
0x194: {  	v1 =	vadd.f32 v2, v1  }
0x195: {  	v2 =	vld [tilespmem:$0x7A0]  }
0x196: {  	v1 =	vadd.f32 v3, v1  }
0x197: {  	v3 =	vld [tilespmem:$0x7B0]  }
0x198: {  	v1 =	vadd.f32 v62, v1  }
0x199: {  	v63 =	vld [tilespmem:$0x7C0]  }
0x19a: {  	v1 =	vadd.f32 v2, v1  }
0x19b: {  	v2 =	vld [tilespmem:$0x7D0]  }
0x19c: {  	v1 =	vadd.f32 v3, v1  }
0x19d: {  	v3 =	vld [tilespmem:$0x7E0]  }
0x19e: {  	v1 =	vadd.f32 v63, v1;
	_ =	sdelay $0x1  }
0x19f: {  	v2 =	vadd.f32 v2, v1;
	v1 =	vld [tilespmem:$0x7F0];
	_ =	sdelay $0x1  }
0x1a0: {  	s12 =	simm.s32 $0x80;
	s13 =	simm.s32 $0x2E20;
	v0 =	vld [tilespmem:s11+$0x10];
	v2 =	vadd.f32 v3, v2  }
.LBB2_12:
0x1a1: {  	p0 =	sne.s32 s12, $0x3080  }
0x1a2: {  	s11 =	sadd.s32 $0x40, s11;
	s14 =	smov.u32 s12;
	s12 =	sadd.s32 $0x80, s12  }
0x1a3: {  	v1 =	vadd.f32 v1, v2;
	_ =	sdelay $0x1  }
0x1a4: {  	v0 =	vadd.f32 v1, v0  }
0x1a5: {  	s14 =	sadd.s32 s14, s4  }
0x1a6: {  	[tilespmem:s13+$0x10] =	vst v0;
	s13 =	smov.u32 s11  }
0x1a7: {  	[tilespmem:s5], [sflag:$0x2] =	stream.linear.gather [hbm4b:s14+s5], $0x400, $0x38;
	[tilespmem:$0x1DA80] =	vst v63  }
0x1a8: {  	_ =	swait.ge [sflag:s6], $0x400  }
0x1a9: {  	[sflag:s6] =	ssyncset.done $0x0  }
0x1aa: {  	[sflag:s6] =	ssyncadd.s32 $0xFFFFFC00  }
0x1ab: {  	[tilespmem:s8], [sflag:$0x1] =	stream.indirect.gather [spmem:s2], $0x1, s5, s7, $0xb8;
	[tilespmem:$0x1DA80] =	vst v63  }
0x1ac: {  	_ = 	snop  }
0x1ad: {  	[tilespmem:s9], [sflag:$0x1] =	stream.indirect.gather [spmem:s2], $0x1, s7, s7, $0xb8;
	[tilespmem:$0x1DA80] =	vst v63  }
0x1ae: {  	_ =	swait.ge [sflag:s10], $0x200  }
0x1af: {  	[sflag:s10] =	ssyncset.done $0x0  }
0x1b0: {  	[sflag:s10] =	ssyncadd.s32 $0xFFFFFE00  }
0x1b1: {  	_ =	swait.ge [sflag:s10], $0x200  }
0x1b2: {  	[sflag:s10] =	ssyncset.done $0x0  }
0x1b3: {  	[sflag:s10] =	ssyncadd.s32 $0xFFFFFE00  }
0x1b4: {  	v0 =	vld [tilespmem:$0x400]  }
0x1b5: {  	v1 =	vld [tilespmem:$0x410]  }
0x1b6: {  	v3 =	vld [tilespmem:s11+$0xFFFFFFE0]  }
0x1b7: {  	v4 =	vld [tilespmem:$0x420]  }
0x1b8: {  	v2 =	vld [tilespmem:s11+$0xFFFFFFF0]  }
0x1b9: {  	v5 =	vld [tilespmem:$0x430]  }
0x1ba: {  	v0 =	vadd.f32 v1, v0;
	v1 =	vld [tilespmem:s11+$0x0]  }
0x1bb: {  	v6 =	vld [tilespmem:$0x440]  }
0x1bc: {  	v4 =	vadd.f32 v4, v0;
	v0 =	vld [tilespmem:s11+$0x10]  }
0x1bd: {  	v7 =	vld [tilespmem:$0x450]  }
0x1be: {  	v4 =	vadd.f32 v5, v4  }
0x1bf: {  	v5 =	vld [tilespmem:$0x460]  }
0x1c0: {  	v4 =	vadd.f32 v6, v4  }
0x1c1: {  	v6 =	vld [tilespmem:$0x470]  }
0x1c2: {  	v4 =	vadd.f32 v7, v4  }
0x1c3: {  	v7 =	vld [tilespmem:$0x480]  }
0x1c4: {  	v4 =	vadd.f32 v5, v4  }
0x1c5: {  	v5 =	vld [tilespmem:$0x490]  }
0x1c6: {  	v4 =	vadd.f32 v6, v4  }
0x1c7: {  	v6 =	vld [tilespmem:$0x4A0]  }
0x1c8: {  	v4 =	vadd.f32 v7, v4  }
0x1c9: {  	v7 =	vld [tilespmem:$0x4B0]  }
0x1ca: {  	v4 =	vadd.f32 v5, v4  }
0x1cb: {  	v5 =	vld [tilespmem:$0x4C0]  }
0x1cc: {  	v4 =	vadd.f32 v6, v4  }
0x1cd: {  	v6 =	vld [tilespmem:$0x4D0]  }
0x1ce: {  	v4 =	vadd.f32 v7, v4  }
0x1cf: {  	v7 =	vld [tilespmem:$0x4E0]  }
0x1d0: {  	v4 =	vadd.f32 v5, v4  }
0x1d1: {  	v5 =	vld [tilespmem:$0x4F0]  }
0x1d2: {  	v4 =	vadd.f32 v6, v4;
	_ =	sdelay $0x1  }
0x1d3: {  	v4 =	vadd.f32 v7, v4;
	_ =	sdelay $0x1  }
0x1d4: {  	v4 =	vadd.f32 v5, v4;
	_ =	sdelay $0x1  }
0x1d5: {  	v3 =	vadd.f32 v4, v3;
	_ =	sdelay $0x1  }
0x1d6: {  	[tilespmem:s11+$0xFFFFFFE0] =	vst v3  }
0x1d7: {  	v3 =	vld [tilespmem:$0x500]  }
0x1d8: {  	v4 =	vld [tilespmem:$0x510];
	_ =	sdelay $0x1  }
0x1d9: {  	v5 =	vld [tilespmem:$0x520];
	_ =	sdelay $0x1  }
0x1da: {  	v6 =	vld [tilespmem:$0x530]  }
0x1db: {  	v3 =	vadd.f32 v4, v3  }
0x1dc: {  	v4 =	vld [tilespmem:$0x540]  }
0x1dd: {  	v3 =	vadd.f32 v5, v3  }
0x1de: {  	v5 =	vld [tilespmem:$0x550]  }
0x1df: {  	v3 =	vadd.f32 v6, v3  }
0x1e0: {  	v6 =	vld [tilespmem:$0x560]  }
0x1e1: {  	v3 =	vadd.f32 v4, v3  }
0x1e2: {  	v4 =	vld [tilespmem:$0x570]  }
0x1e3: {  	v3 =	vadd.f32 v5, v3  }
0x1e4: {  	v5 =	vld [tilespmem:$0x580]  }
0x1e5: {  	v3 =	vadd.f32 v6, v3  }
0x1e6: {  	v6 =	vld [tilespmem:$0x590]  }
0x1e7: {  	v3 =	vadd.f32 v4, v3  }
0x1e8: {  	v4 =	vld [tilespmem:$0x5A0]  }
0x1e9: {  	v3 =	vadd.f32 v5, v3  }
0x1ea: {  	v5 =	vld [tilespmem:$0x5B0]  }
0x1eb: {  	v3 =	vadd.f32 v6, v3  }
0x1ec: {  	v6 =	vld [tilespmem:$0x5C0]  }
0x1ed: {  	v3 =	vadd.f32 v4, v3  }
0x1ee: {  	v4 =	vld [tilespmem:$0x5D0]  }
0x1ef: {  	v3 =	vadd.f32 v5, v3  }
0x1f0: {  	v5 =	vld [tilespmem:$0x5E0]  }
0x1f1: {  	v3 =	vadd.f32 v6, v3  }
0x1f2: {  	v6 =	vld [tilespmem:$0x5F0]  }
0x1f3: {  	v3 =	vadd.f32 v4, v3;
	_ =	sdelay $0x1  }
0x1f4: {  	v3 =	vadd.f32 v5, v3;
	_ =	sdelay $0x1  }
0x1f5: {  	v3 =	vadd.f32 v6, v3;
	_ =	sdelay $0x1  }
0x1f6: {  	v2 =	vadd.f32 v3, v2;
	_ =	sdelay $0x1  }
0x1f7: {  	[tilespmem:s11+$0xFFFFFFF0] =	vst v2  }
0x1f8: {  	v2 =	vld [tilespmem:$0x600]  }
0x1f9: {  	v3 =	vld [tilespmem:$0x610]  }
0x1fa: {  	v4 =	vld [tilespmem:$0x620]  }
0x1fb: {  	v5 =	vld [tilespmem:$0x630]  }
0x1fc: {  	v6 =	vld [tilespmem:$0x640]  }
0x1fd: {  	v7 =	vld [tilespmem:$0x650]  }
0x1fe: {  	v2 =	vadd.f32 v3, v2;
	v3 =	vld [tilespmem:$0x660]  }
0x1ff: {  	v8 =	vld [tilespmem:$0x670]  }
0x200: {  	v2 =	vadd.f32 v4, v2;
	v4 =	vld [tilespmem:$0x680]  }
0x201: {  	v9 =	vld [tilespmem:$0x690]  }
0x202: {  	v2 =	vadd.f32 v5, v2;
	v5 =	vld [tilespmem:$0x6A0]  }
0x203: {  	v10 =	vld [tilespmem:$0x6B0]  }
0x204: {  	v2 =	vadd.f32 v6, v2;
	v6 =	vld [tilespmem:$0x6C0]  }
0x205: {  	v11 =	vld [tilespmem:$0x6D0]  }
0x206: {  	v2 =	vadd.f32 v7, v2;
	v7 =	vld [tilespmem:$0x6E0]  }
0x207: {  	v12 =	vld [tilespmem:$0x6F0]  }
0x208: {  	v2 =	vadd.f32 v3, v2;
	_ =	sdelay $0x1  }
0x209: {  	v2 =	vadd.f32 v8, v2;
	_ =	sdelay $0x1  }
0x20a: {  	v2 =	vadd.f32 v4, v2;
	_ =	sdelay $0x1  }
0x20b: {  	v2 =	vadd.f32 v9, v2;
	_ =	sdelay $0x1  }
0x20c: {  	v2 =	vadd.f32 v5, v2;
	_ =	sdelay $0x1  }
0x20d: {  	v2 =	vadd.f32 v10, v2;
	_ =	sdelay $0x1  }
0x20e: {  	v2 =	vadd.f32 v6, v2;
	_ =	sdelay $0x1  }
0x20f: {  	v2 =	vadd.f32 v11, v2;
	_ =	sdelay $0x1  }
0x210: {  	v2 =	vadd.f32 v7, v2;
	_ =	sdelay $0x1  }
0x211: {  	v2 =	vadd.f32 v12, v2;
	_ =	sdelay $0x1  }
0x212: {  	v1 =	vadd.f32 v2, v1;
	_ =	sdelay $0x1  }
0x213: {  	[tilespmem:s11+$0x0] =	vst v1  }
0x214: {  	v1 =	vld [tilespmem:$0x700]  }
0x215: {  	v2 =	vld [tilespmem:$0x710]  }
0x216: {  	v3 =	vld [tilespmem:$0x720]  }
0x217: {  	v4 =	vld [tilespmem:$0x730]  }
0x218: {  	v5 =	vld [tilespmem:$0x740]  }
0x219: {  	v6 =	vld [tilespmem:$0x750]  }
0x21a: {  	v1 =	vadd.f32 v2, v1;
	v2 =	vld [tilespmem:$0x760]  }
0x21b: {  	v7 =	vld [tilespmem:$0x770]  }
0x21c: {  	v1 =	vadd.f32 v3, v1;
	v3 =	vld [tilespmem:$0x780]  }
0x21d: {  	v8 =	vld [tilespmem:$0x790]  }
0x21e: {  	v1 =	vadd.f32 v4, v1;
	v4 =	vld [tilespmem:$0x7A0]  }
0x21f: {  	v9 =	vld [tilespmem:$0x7B0]  }
0x220: {  	v1 =	vadd.f32 v5, v1;
	v5 =	vld [tilespmem:$0x7C0]  }
0x221: {  	v10 =	vld [tilespmem:$0x7D0]  }
0x222: {  	v6 =	vadd.f32 v6, v1;
	v11 =	vld [tilespmem:$0x7E0]  }
0x223: {  	v1 =	vld [tilespmem:$0x7F0]  }
0x224: {  	v2 =	vadd.f32 v2, v6;
	_ =	sdelay $0x1  }
0x225: {  	v2 =	vadd.f32 v7, v2;
	_ =	sdelay $0x1  }
0x226: {  	v2 =	vadd.f32 v3, v2;
	_ =	sdelay $0x1  }
0x227: {  	v2 =	vadd.f32 v8, v2;
	_ =	sdelay $0x1  }
0x228: {  	v2 =	vadd.f32 v4, v2;
	_ =	sdelay $0x1  }
0x229: {  	v2 =	vadd.f32 v9, v2;
	_ =	sdelay $0x1  }
.Ltmp6:
0x22a: {  	v2 =	vadd.f32 v5, v2;
	(pc) =	sbr.rel @p0 .LBB2_12-.Ltmp6, $3  }
0x22b: {  	_ = 	snop  }
0x22c: {  	v2 =	vadd.f32 v10, v2;
	_ =	sdelay $0x1  }
0x22d: {  	v2 =	vadd.f32 v11, v2  }
0x22e: {  	_ = 	snop  }
0x22f: {  	v1 =	vadd.f32 v1, v2;
	_ =	sdelay $0x1  }
0x230: {  	v0 =	vadd.f32 v1, v0;
	_ =	sdelay $0x1  }
0x231: {  	s2 =	simm.s32 $0x0;
	s4 =	simm.s32 $0x2E00;
	s31 =	simm.s32 $0x2;
	[tilespmem:s13+$0x10] =	vst v0  }
0x232: {  	[hbm4b:s3+s2] =	stream.linear.scatter [tilespmem:s4], [sflag:$0x2], $0x1870, $0x38;
	[tilespmem:$0x1DA80] =	vst v63  }
0x233: {  	_ =	swait.ge [sflag:s31], $0x1870  }
0x234: {  	[sflag:s31] =	ssyncset.done $0x0  }
0x235: {  	[sflag:s31] =	ssyncadd.s32 $0xFFFFE790  }
.LBB2_14:
0x236: {  	_ =	sfence.sel $0x180000  }
0x237: {  	[bflag:$0x0] =	sbarrier.arrive $0xFFFF  }
0x238: {  	p0 =	sne.s32 s1, $0x0;
	_ =	strace $0x90000047  }
0x239: {  	s0 =	sadd.s32 @!p0 $0x100000, s0;
	[bflag:$0x2] =	sbarrier.arrive $0xFFFF  }
0x23a: {  	[sflag:s0] =	ssyncadd.tile.s32 @!p0 $0x1;
	_ =	shalt  }
.Lfunc_end2:
_tile_overlayer_lowered:
.L_overlay_start_2:
0x23b: {  	(tag) =	ssettag $0x2  }
0x23c: {  	s0 =	rddreg [dreg:$0x0];
	s2 =	stileid.u32  }
0x23d: {  	s1 =	rddreg [dreg:$0x1];
	p0 =	sne.s32 s2, $0x0  }
0x23e: {  	s3 =	rddreg [dreg:$0x2];
	[bflag:$0x3] =	sbarrier.arrive $0xFFFF;
	s2 =	simm.s32 @!p0 $0x1C02  }
0x23f: {  	[timem:s3], [sflag:s2] =	dma.local @!p0 [hbm:s0], s1  }
0x240: {  	s0 =	simm.s32 @!p0 $0x2  }
0x241: {  	_ =	swait.ge @!p0 [sflag:s0], s1  }
0x242: {  	s1 =	ssub.s32 @!p0 $0x0, s1;
	[sflag:s0] =	ssyncset.done @!p0 $0x0  }
0x243: {  	[sflag:s0] =	ssyncadd.s32 @!p0 s1  }
0x244: {  	[bflag:$0x3] =	sbarrier.arrive $0xFFFF  }
0x245: {  	_ =	shalt  }

</sc_bundles>
